<compile_context>
chip_gen: v7x
topology: tpu7x:2x2x1
jax: 0.10.2.dev20260603
libtpu: 0.0.44.dev20260713+nightly
codegen_flags: <defaults>
</compile_context>

<pallas_src>
import jax
import jax.numpy as jnp
from jax import lax
from jax.experimental import pallas as pl
from jax.experimental.pallas import tpu as pltpu
from jax.experimental.pallas import tpu_sc as plsc

LM = 128
W = 2 * LM - 1
PACKED = LM * LM
BATCH = 1024
NW = 32
ROWS = BATCH // NW

IN_OFF = 128
IN_PAD = PACKED + IN_OFF + 16
OUT_ROWS = LM + 1


def _vec(inA, inB, outA, outB, lane, j):
    l = j >> 4
    col = (j & 15) * 16
    src0 = l * l + l - 127 + IN_OFF + col
    dv = lane + (col - 127)
    m = jnp.abs(dv) <= l
    vA = inA[pl.ds(src0, 16)]
    vB = inB[pl.ds(src0, 16)]
    outA[l, pl.ds(col, 16)] = jnp.where(m, vA, 0.0)
    outB[l, pl.ds(col, 16)] = jnp.where(m, vB, 0.0)


def _copy_pair(inA, inB, outA, outB, lane):
    @plsc.parallel_loop(0, 16 * (LM - 1), unroll=8)
    def _(j):
        _vec(inA, inB, outA, outB, lane, j)

    def last(j, c):
        _vec(inA, inB, outA, outB, lane, j)
        return c

    lax.fori_loop(16 * (LM - 1), 16 * LM, last, 0)


def _body(in_hbm, out_hbm, in0, in1, out0, out1, si0, si1, so0, so1):
    wid = lax.axis_index("s") * 2 + lax.axis_index("c")
    base = wid * ROWS
    ins = (in0, in1)
    outs = (out0, out1)
    sis = (si0, si1)
    sos = (so0, so1)
    lane = lax.iota(jnp.int32, 16)

    def start_in(p, b):
        hb = (b >> 3) * 131072 + (b & 7) * 128

        def chunk(cc, c2):
            pltpu.make_async_copy(
                in_hbm.at[pl.ds(hb + cc * 1024, 128)],
                ins[p].at[pl.ds(IN_OFF + cc * 128, 128)], sis[p]
            ).start()
            return c2

        lax.fori_loop(0, 128, chunk, 0, unroll=8)

    def wait_in(p):
        pltpu.make_async_copy(
            in_hbm.at[pl.ds(0, PACKED)],
            ins[p].at[pl.ds(IN_OFF, PACKED)], sis[p]
        ).wait()

    for p in range(2):
        start_in(p, base + p)

    def pair(i, c):
        b = base + 2 * i
        for p in range(2):
            wait_in(p)

        @pl.when(i > 0)
        def _():
            for p in range(2):
                pltpu.make_async_copy(
                    outs[p].at[pl.ds(0, LM)], out_hbm.at[b - 2 + p], sos[p]
                ).wait()

        _copy_pair(in0, in1, out0, out1, lane)

        for p in range(2):
            pltpu.make_async_copy(
                outs[p].at[pl.ds(0, LM)], out_hbm.at[b + p], sos[p]
            ).start()

        @pl.when(2 * i + 2 < ROWS)
        def _():
            for p in range(2):
                start_in(p, b + 2 + p)
        return c

    lax.fori_loop(0, ROWS // 2, pair, 0)

    for p in range(2):
        pltpu.make_async_copy(
            outs[p].at[pl.ds(0, LM)], out_hbm.at[base + ROWS - 2 + p], sos[p]
        ).wait()


def kernel(tensor):
    mesh = plsc.VectorSubcoreMesh(core_axis_name="c", subcore_axis_name="s")
    k = pl.kernel(
        _body,
        mesh=mesh,
        out_type=jax.ShapeDtypeStruct((BATCH, LM, W), jnp.float32),
        scratch_types=[
            pltpu.VMEM((IN_PAD,), jnp.float32),
            pltpu.VMEM((IN_PAD,), jnp.float32),
            pltpu.VMEM((OUT_ROWS, W), jnp.float32),
            pltpu.VMEM((OUT_ROWS, W), jnp.float32),
            pltpu.SemaphoreType.DMA,
            pltpu.SemaphoreType.DMA,
            pltpu.SemaphoreType.DMA,
            pltpu.SemaphoreType.DMA,
        ],
    )
    flat = tensor.reshape(128, 8, 128, 128).transpose(0, 2, 1, 3)
    return k(flat.reshape(BATCH * PACKED))

# --- scband reference (transcript-rebuilt; emitter-appended) ---
"""Pipeline reference for scband-unpacking-layer-53051436040781 (READ-ONLY COPY).

The authoritative reference and input builder live on the scoring server;
editing this copy changes nothing except your own understanding.
"""

import jax, jax.numpy as jnp
import numpy as np

LMAX = 128  # inferred in build(): lmax = sqrt(coeff_dim_size) since is_real=False
FILL_VALUE = 0.0


def setup_inputs(seed: int = 0) -> dict:
    key = jax.random.key(seed)
    tensor = jax.random.normal(key, (1024, LMAX * LMAX), dtype=jnp.float32)
    return {"tensor": tensor}


def _unpack(tensor, lmax, fill_value):
    # Complex-convention packing (ssht ordering): packed index = l*l + l + m,
    # for l in [0, lmax), m in [-l, l]. Unpacked matrix has shape
    # (..., lmax, 2*lmax-1) with m column j corresponding to m = j - (lmax-1)
    # (mmin = 1 - lmax when mmin is None / is_real=False).
    ls = jnp.arange(lmax)[:, None]                      # (lmax, 1)
    ms = jnp.arange(-(lmax - 1), lmax)[None, :]         # (1, 2*lmax-1)
    valid = jnp.abs(ms) <= ls                           # (lmax, 2*lmax-1)
    idx = jnp.where(valid, ls * ls + ls + ms, 0)        # safe in-range indices
    flat_idx = idx.reshape(-1)
    gathered = jnp.take(tensor, flat_idx, axis=-1)
    gathered = gathered.reshape(tensor.shape[:-1] + (lmax, 2 * lmax - 1))
    fill = jnp.asarray(fill_value, dtype=tensor.dtype)
    return jnp.where(valid, gathered, fill)


def reference(tensor):
    return _unpack(tensor, LMAX, FILL_VALUE)

if __name__ == "__main__":
    import jax
    _d = setup_inputs()
    print(jax.jit(kernel)(*tuple(_d.values())))

</pallas_src>

<mosaic_0001>
#map = affine_map<(d0, d1) -> (0)>
#map1 = affine_map<(d0, d1) -> (0, 0, 0)>
module attributes {stable_mosaic.version = 14 : i64} {
  func.func @_body(%arg0: i32, %arg1: i32, %arg2: memref<16777216xf32, #tpu.memory_space<hbm>>, %arg3: memref<1024x128x255xf32, #tpu.memory_space<hbm>>, %arg4: memref<16528xf32, #tpu.memory_space<vmem>>, %arg5: memref<16528xf32, #tpu.memory_space<vmem>>, %arg6: memref<129x255xf32, #tpu.memory_space<vmem>>, %arg7: memref<129x255xf32, #tpu.memory_space<vmem>>, %arg8: memref<!tpu.dma_semaphore, #tpu.memory_space<semaphore_mem>>, %arg9: memref<!tpu.dma_semaphore, #tpu.memory_space<semaphore_mem>>, %arg10: memref<!tpu.dma_semaphore, #tpu.memory_space<semaphore_mem>>, %arg11: memref<!tpu.dma_semaphore, #tpu.memory_space<semaphore_mem>>) attributes {dimension_semantics = [#tpu.dimension_semantics<core_parallel>, #tpu.dimension_semantics<subcore_parallel>], iteration_bounds = array<i64: 2, 16>, scalar_prefetch = 0 : i64, scratch_operands = 8 : i64, tpu.core_type = #tpu.core_type<sc_vector_subcore>, window_params = [{transform_indices = #map}, {transform_indices = #map1}]} {
    %mul3A = arith.constant 2 : i32
    %mul3A_0 = arith.muli %arg1, %mul3A : i32
    %add3A = arith.addi %mul3A_0, %arg0 : i32
    %mul3A_1 = arith.constant 32 : i32
    %mul3A_2 = arith.muli %add3A, %mul3A_1 : i32
    %iota3A = tpu.iota {dimensions = array<i32: 0>} : vector<16xi32>
    %add3A_3 = arith.constant 0 : i32
    %add3A_4 = arith.addi %mul3A_2, %add3A_3 : i32
    %shift_right_arithmetic3A = arith.constant 3 : i32
    %shift_right_arithmetic3A_5 = arith.shrsi %add3A_4, %shift_right_arithmetic3A : i32
    %mul3A_6 = arith.constant 131072 : i32
    %mul3A_7 = arith.muli %shift_right_arithmetic3A_5, %mul3A_6 : i32
    %and3A = arith.constant 7 : i32
    %and3A_8 = arith.andi %add3A_4, %and3A : i32
    %mul3A_9 = arith.constant 128 : i32
    %mul3A_10 = arith.muli %and3A_8, %mul3A_9 : i32
    %add3A_11 = arith.addi %mul3A_7, %mul3A_10 : i32
    %scan3A = arith.constant 0 : i32
    %scan3A_12 = arith.constant 0 : i32
    %scan3A_13 = arith.constant 128 : i32
    %scan3A_14 = arith.addi %scan3A_12, %scan3A_13 : i32
    %scan3A_15 = arith.constant 8 : i32
    scf.for %scan3A_78 = %scan3A_12 to %scan3A_14 step %scan3A_15  : i32 {
      %mul3A_79 = arith.constant 1024 : i32
      %mul3A_80 = arith.muli %scan3A_78, %mul3A_79 : i32
      %add3A_81 = arith.addi %add3A_11, %mul3A_80 : i32
      %mul3A_82 = arith.constant 128 : i32
      %mul3A_83 = arith.muli %scan3A_78, %mul3A_82 : i32
      %add3A_84 = arith.constant 128 : i32
      %add3A_85 = arith.addi %add3A_84, %mul3A_83 : i32
      %dma_start3A = tpu.memref_slice %arg4[%add3A_85] : memref<16528xf32, #tpu.memory_space<vmem>> -> memref<128xf32, #tpu.memory_space<vmem>>
      %dma_start3A_86 = tpu.memref_slice %arg2[%add3A_81] : memref<16777216xf32, #tpu.memory_space<hbm>> -> memref<128xf32, #tpu.memory_space<hbm>>
      %dma_start3A_87 = tpu.memref_slice %arg4[%add3A_85] : memref<16528xf32, #tpu.memory_space<vmem>> -> memref<128xf32, #tpu.memory_space<vmem>>
      %dma_start3A_88 = tpu.memref_slice %arg2[%add3A_81] : memref<16777216xf32, #tpu.memory_space<hbm>> -> memref<128xf32, #tpu.memory_space<hbm>>
      tpu.enqueue_dma source(%dma_start3A_88 : memref<128xf32, #tpu.memory_space<hbm>>) target(%dma_start3A_87 : memref<128xf32, #tpu.memory_space<vmem>>) target_semaphore(%arg8 : memref<!tpu.dma_semaphore, #tpu.memory_space<semaphore_mem>>)
      %scan3A_89 = arith.constant 1 : i32
      %scan3A_90 = arith.addi %scan3A_78, %scan3A_89 : i32
      %mul3A_91 = arith.constant 1024 : i32
      %mul3A_92 = arith.muli %scan3A_90, %mul3A_91 : i32
      %add3A_93 = arith.addi %add3A_11, %mul3A_92 : i32
      %mul3A_94 = arith.constant 128 : i32
      %mul3A_95 = arith.muli %scan3A_90, %mul3A_94 : i32
      %add3A_96 = arith.constant 128 : i32
      %add3A_97 = arith.addi %add3A_96, %mul3A_95 : i32
      %dma_start3A_98 = tpu.memref_slice %arg4[%add3A_97] : memref<16528xf32, #tpu.memory_space<vmem>> -> memref<128xf32, #tpu.memory_space<vmem>>
      %dma_start3A_99 = tpu.memref_slice %arg2[%add3A_93] : memref<16777216xf32, #tpu.memory_space<hbm>> -> memref<128xf32, #tpu.memory_space<hbm>>
      %dma_start3A_100 = tpu.memref_slice %arg4[%add3A_97] : memref<16528xf32, #tpu.memory_space<vmem>> -> memref<128xf32, #tpu.memory_space<vmem>>
      %dma_start3A_101 = tpu.memref_slice %arg2[%add3A_93] : memref<16777216xf32, #tpu.memory_space<hbm>> -> memref<128xf32, #tpu.memory_space<hbm>>
      tpu.enqueue_dma source(%dma_start3A_101 : memref<128xf32, #tpu.memory_space<hbm>>) target(%dma_start3A_100 : memref<128xf32, #tpu.memory_space<vmem>>) target_semaphore(%arg8 : memref<!tpu.dma_semaphore, #tpu.memory_space<semaphore_mem>>)
      %scan3A_102 = arith.constant 2 : i32
      %scan3A_103 = arith.addi %scan3A_78, %scan3A_102 : i32
      %mul3A_104 = arith.constant 1024 : i32
      %mul3A_105 = arith.muli %scan3A_103, %mul3A_104 : i32
      %add3A_106 = arith.addi %add3A_11, %mul3A_105 : i32
      %mul3A_107 = arith.constant 128 : i32
      %mul3A_108 = arith.muli %scan3A_103, %mul3A_107 : i32
      %add3A_109 = arith.constant 128 : i32
      %add3A_110 = arith.addi %add3A_109, %mul3A_108 : i32
      %dma_start3A_111 = tpu.memref_slice %arg4[%add3A_110] : memref<16528xf32, #tpu.memory_space<vmem>> -> memref<128xf32, #tpu.memory_space<vmem>>
      %dma_start3A_112 = tpu.memref_slice %arg2[%add3A_106] : memref<16777216xf32, #tpu.memory_space<hbm>> -> memref<128xf32, #tpu.memory_space<hbm>>
      %dma_start3A_113 = tpu.memref_slice %arg4[%add3A_110] : memref<16528xf32, #tpu.memory_space<vmem>> -> memref<128xf32, #tpu.memory_space<vmem>>
      %dma_start3A_114 = tpu.memref_slice %arg2[%add3A_106] : memref<16777216xf32, #tpu.memory_space<hbm>> -> memref<128xf32, #tpu.memory_space<hbm>>
      tpu.enqueue_dma source(%dma_start3A_114 : memref<128xf32, #tpu.memory_space<hbm>>) target(%dma_start3A_113 : memref<128xf32, #tpu.memory_space<vmem>>) target_semaphore(%arg8 : memref<!tpu.dma_semaphore, #tpu.memory_space<semaphore_mem>>)
      %scan3A_115 = arith.constant 3 : i32
      %scan3A_116 = arith.addi %scan3A_78, %scan3A_115 : i32
      %mul3A_117 = arith.constant 1024 : i32
      %mul3A_118 = arith.muli %scan3A_116, %mul3A_117 : i32
      %add3A_119 = arith.addi %add3A_11, %mul3A_118 : i32
      %mul3A_120 = arith.constant 128 : i32
      %mul3A_121 = arith.muli %scan3A_116, %mul3A_120 : i32
      %add3A_122 = arith.constant 128 : i32
      %add3A_123 = arith.addi %add3A_122, %mul3A_121 : i32
      %dma_start3A_124 = tpu.memref_slice %arg4[%add3A_123] : memref<16528xf32, #tpu.memory_space<vmem>> -> memref<128xf32, #tpu.memory_space<vmem>>
      %dma_start3A_125 = tpu.memref_slice %arg2[%add3A_119] : memref<16777216xf32, #tpu.memory_space<hbm>> -> memref<128xf32, #tpu.memory_space<hbm>>
      %dma_start3A_126 = tpu.memref_slice %arg4[%add3A_123] : memref<16528xf32, #tpu.memory_space<vmem>> -> memref<128xf32, #tpu.memory_space<vmem>>
      %dma_start3A_127 = tpu.memref_slice %arg2[%add3A_119] : memref<16777216xf32, #tpu.memory_space<hbm>> -> memref<128xf32, #tpu.memory_space<hbm>>
      tpu.enqueue_dma source(%dma_start3A_127 : memref<128xf32, #tpu.memory_space<hbm>>) target(%dma_start3A_126 : memref<128xf32, #tpu.memory_space<vmem>>) target_semaphore(%arg8 : memref<!tpu.dma_semaphore, #tpu.memory_space<semaphore_mem>>)
      %scan3A_128 = arith.constant 4 : i32
      %scan3A_129 = arith.addi %scan3A_78, %scan3A_128 : i32
      %mul3A_130 = arith.constant 1024 : i32
      %mul3A_131 = arith.muli %scan3A_129, %mul3A_130 : i32
      %add3A_132 = arith.addi %add3A_11, %mul3A_131 : i32
      %mul3A_133 = arith.constant 128 : i32
      %mul3A_134 = arith.muli %scan3A_129, %mul3A_133 : i32
      %add3A_135 = arith.constant 128 : i32
      %add3A_136 = arith.addi %add3A_135, %mul3A_134 : i32
      %dma_start3A_137 = tpu.memref_slice %arg4[%add3A_136] : memref<16528xf32, #tpu.memory_space<vmem>> -> memref<128xf32, #tpu.memory_space<vmem>>
      %dma_start3A_138 = tpu.memref_slice %arg2[%add3A_132] : memref<16777216xf32, #tpu.memory_space<hbm>> -> memref<128xf32, #tpu.memory_space<hbm>>
      %dma_start3A_139 = tpu.memref_slice %arg4[%add3A_136] : memref<16528xf32, #tpu.memory_space<vmem>> -> memref<128xf32, #tpu.memory_space<vmem>>
      %dma_start3A_140 = tpu.memref_slice %arg2[%add3A_132] : memref<16777216xf32, #tpu.memory_space<hbm>> -> memref<128xf32, #tpu.memory_space<hbm>>
      tpu.enqueue_dma source(%dma_start3A_140 : memref<128xf32, #tpu.memory_space<hbm>>) target(%dma_start3A_139 : memref<128xf32, #tpu.memory_space<vmem>>) target_semaphore(%arg8 : memref<!tpu.dma_semaphore, #tpu.memory_space<semaphore_mem>>)
      %scan3A_141 = arith.constant 5 : i32
      %scan3A_142 = arith.addi %scan3A_78, %scan3A_141 : i32
      %mul3A_143 = arith.constant 1024 : i32
      %mul3A_144 = arith.muli %scan3A_142, %mul3A_143 : i32
      %add3A_145 = arith.addi %add3A_11, %mul3A_144 : i32
      %mul3A_146 = arith.constant 128 : i32
      %mul3A_147 = arith.muli %scan3A_142, %mul3A_146 : i32
      %add3A_148 = arith.constant 128 : i32
      %add3A_149 = arith.addi %add3A_148, %mul3A_147 : i32
      %dma_start3A_150 = tpu.memref_slice %arg4[%add3A_149] : memref<16528xf32, #tpu.memory_space<vmem>> -> memref<128xf32, #tpu.memory_space<vmem>>
      %dma_start3A_151 = tpu.memref_slice %arg2[%add3A_145] : memref<16777216xf32, #tpu.memory_space<hbm>> -> memref<128xf32, #tpu.memory_space<hbm>>
      %dma_start3A_152 = tpu.memref_slice %arg4[%add3A_149] : memref<16528xf32, #tpu.memory_space<vmem>> -> memref<128xf32, #tpu.memory_space<vmem>>
      %dma_start3A_153 = tpu.memref_slice %arg2[%add3A_145] : memref<16777216xf32, #tpu.memory_space<hbm>> -> memref<128xf32, #tpu.memory_space<hbm>>
      tpu.enqueue_dma source(%dma_start3A_153 : memref<128xf32, #tpu.memory_space<hbm>>) target(%dma_start3A_152 : memref<128xf32, #tpu.memory_space<vmem>>) target_semaphore(%arg8 : memref<!tpu.dma_semaphore, #tpu.memory_space<semaphore_mem>>)
      %scan3A_154 = arith.constant 6 : i32
      %scan3A_155 = arith.addi %scan3A_78, %scan3A_154 : i32
      %mul3A_156 = arith.constant 1024 : i32
      %mul3A_157 = arith.muli %scan3A_155, %mul3A_156 : i32
      %add3A_158 = arith.addi %add3A_11, %mul3A_157 : i32
      %mul3A_159 = arith.constant 128 : i32
      %mul3A_160 = arith.muli %scan3A_155, %mul3A_159 : i32
      %add3A_161 = arith.constant 128 : i32
      %add3A_162 = arith.addi %add3A_161, %mul3A_160 : i32
      %dma_start3A_163 = tpu.memref_slice %arg4[%add3A_162] : memref<16528xf32, #tpu.memory_space<vmem>> -> memref<128xf32, #tpu.memory_space<vmem>>
      %dma_start3A_164 = tpu.memref_slice %arg2[%add3A_158] : memref<16777216xf32, #tpu.memory_space<hbm>> -> memref<128xf32, #tpu.memory_space<hbm>>
      %dma_start3A_165 = tpu.memref_slice %arg4[%add3A_162] : memref<16528xf32, #tpu.memory_space<vmem>> -> memref<128xf32, #tpu.memory_space<vmem>>
      %dma_start3A_166 = tpu.memref_slice %arg2[%add3A_158] : memref<16777216xf32, #tpu.memory_space<hbm>> -> memref<128xf32, #tpu.memory_space<hbm>>
      tpu.enqueue_dma source(%dma_start3A_166 : memref<128xf32, #tpu.memory_space<hbm>>) target(%dma_start3A_165 : memref<128xf32, #tpu.memory_space<vmem>>) target_semaphore(%arg8 : memref<!tpu.dma_semaphore, #tpu.memory_space<semaphore_mem>>)
      %scan3A_167 = arith.constant 7 : i32
      %scan3A_168 = arith.addi %scan3A_78, %scan3A_167 : i32
      %mul3A_169 = arith.constant 1024 : i32
      %mul3A_170 = arith.muli %scan3A_168, %mul3A_169 : i32
      %add3A_171 = arith.addi %add3A_11, %mul3A_170 : i32
      %mul3A_172 = arith.constant 128 : i32
      %mul3A_173 = arith.muli %scan3A_168, %mul3A_172 : i32
      %add3A_174 = arith.constant 128 : i32
      %add3A_175 = arith.addi %add3A_174, %mul3A_173 : i32
      %dma_start3A_176 = tpu.memref_slice %arg4[%add3A_175] : memref<16528xf32, #tpu.memory_space<vmem>> -> memref<128xf32, #tpu.memory_space<vmem>>
      %dma_start3A_177 = tpu.memref_slice %arg2[%add3A_171] : memref<16777216xf32, #tpu.memory_space<hbm>> -> memref<128xf32, #tpu.memory_space<hbm>>
      %dma_start3A_178 = tpu.memref_slice %arg4[%add3A_175] : memref<16528xf32, #tpu.memory_space<vmem>> -> memref<128xf32, #tpu.memory_space<vmem>>
      %dma_start3A_179 = tpu.memref_slice %arg2[%add3A_171] : memref<16777216xf32, #tpu.memory_space<hbm>> -> memref<128xf32, #tpu.memory_space<hbm>>
      tpu.enqueue_dma source(%dma_start3A_179 : memref<128xf32, #tpu.memory_space<hbm>>) target(%dma_start3A_178 : memref<128xf32, #tpu.memory_space<vmem>>) target_semaphore(%arg8 : memref<!tpu.dma_semaphore, #tpu.memory_space<semaphore_mem>>)
    }
    %scan3A_16 = arith.constant 128 : i32
    %add3A_17 = arith.constant 1 : i32
    %add3A_18 = arith.addi %mul3A_2, %add3A_17 : i32
    %shift_right_arithmetic3A_19 = arith.constant 3 : i32
    %shift_right_arithmetic3A_20 = arith.shrsi %add3A_18, %shift_right_arithmetic3A_19 : i32
    %mul3A_21 = arith.constant 131072 : i32
    %mul3A_22 = arith.muli %shift_right_arithmetic3A_20, %mul3A_21 : i32
    %and3A_23 = arith.constant 7 : i32
    %and3A_24 = arith.andi %add3A_18, %and3A_23 : i32
    %mul3A_25 = arith.constant 128 : i32
    %mul3A_26 = arith.muli %and3A_24, %mul3A_25 : i32
    %add3A_27 = arith.addi %mul3A_22, %mul3A_26 : i32
    %scan3A_28 = arith.constant 0 : i32
    %scan3A_29 = arith.constant 0 : i32
    %scan3A_30 = arith.constant 128 : i32
    %scan3A_31 = arith.addi %scan3A_29, %scan3A_30 : i32
    %scan3A_32 = arith.constant 8 : i32
    scf.for %scan3A_78 = %scan3A_29 to %scan3A_31 step %scan3A_32  : i32 {
      %mul3A_79 = arith.constant 1024 : i32
      %mul3A_80 = arith.muli %scan3A_78, %mul3A_79 : i32
      %add3A_81 = arith.addi %add3A_27, %mul3A_80 : i32
      %mul3A_82 = arith.constant 128 : i32
      %mul3A_83 = arith.muli %scan3A_78, %mul3A_82 : i32
      %add3A_84 = arith.constant 128 : i32
      %add3A_85 = arith.addi %add3A_84, %mul3A_83 : i32
      %dma_start3A = tpu.memref_slice %arg5[%add3A_85] : memref<16528xf32, #tpu.memory_space<vmem>> -> memref<128xf32, #tpu.memory_space<vmem>>
      %dma_start3A_86 = tpu.memref_slice %arg2[%add3A_81] : memref<16777216xf32, #tpu.memory_space<hbm>> -> memref<128xf32, #tpu.memory_space<hbm>>
      %dma_start3A_87 = tpu.memref_slice %arg5[%add3A_85] : memref<16528xf32, #tpu.memory_space<vmem>> -> memref<128xf32, #tpu.memory_space<vmem>>
      %dma_start3A_88 = tpu.memref_slice %arg2[%add3A_81] : memref<16777216xf32, #tpu.memory_space<hbm>> -> memref<128xf32, #tpu.memory_space<hbm>>
      tpu.enqueue_dma source(%dma_start3A_88 : memref<128xf32, #tpu.memory_space<hbm>>) target(%dma_start3A_87 : memref<128xf32, #tpu.memory_space<vmem>>) target_semaphore(%arg9 : memref<!tpu.dma_semaphore, #tpu.memory_space<semaphore_mem>>)
      %scan3A_89 = arith.constant 1 : i32
      %scan3A_90 = arith.addi %scan3A_78, %scan3A_89 : i32
      %mul3A_91 = arith.constant 1024 : i32
      %mul3A_92 = arith.muli %scan3A_90, %mul3A_91 : i32
      %add3A_93 = arith.addi %add3A_27, %mul3A_92 : i32
      %mul3A_94 = arith.constant 128 : i32
      %mul3A_95 = arith.muli %scan3A_90, %mul3A_94 : i32
      %add3A_96 = arith.constant 128 : i32
      %add3A_97 = arith.addi %add3A_96, %mul3A_95 : i32
      %dma_start3A_98 = tpu.memref_slice %arg5[%add3A_97] : memref<16528xf32, #tpu.memory_space<vmem>> -> memref<128xf32, #tpu.memory_space<vmem>>
      %dma_start3A_99 = tpu.memref_slice %arg2[%add3A_93] : memref<16777216xf32, #tpu.memory_space<hbm>> -> memref<128xf32, #tpu.memory_space<hbm>>
      %dma_start3A_100 = tpu.memref_slice %arg5[%add3A_97] : memref<16528xf32, #tpu.memory_space<vmem>> -> memref<128xf32, #tpu.memory_space<vmem>>
      %dma_start3A_101 = tpu.memref_slice %arg2[%add3A_93] : memref<16777216xf32, #tpu.memory_space<hbm>> -> memref<128xf32, #tpu.memory_space<hbm>>
      tpu.enqueue_dma source(%dma_start3A_101 : memref<128xf32, #tpu.memory_space<hbm>>) target(%dma_start3A_100 : memref<128xf32, #tpu.memory_space<vmem>>) target_semaphore(%arg9 : memref<!tpu.dma_semaphore, #tpu.memory_space<semaphore_mem>>)
      %scan3A_102 = arith.constant 2 : i32
      %scan3A_103 = arith.addi %scan3A_78, %scan3A_102 : i32
      %mul3A_104 = arith.constant 1024 : i32
      %mul3A_105 = arith.muli %scan3A_103, %mul3A_104 : i32
      %add3A_106 = arith.addi %add3A_27, %mul3A_105 : i32
      %mul3A_107 = arith.constant 128 : i32
      %mul3A_108 = arith.muli %scan3A_103, %mul3A_107 : i32
      %add3A_109 = arith.constant 128 : i32
      %add3A_110 = arith.addi %add3A_109, %mul3A_108 : i32
      %dma_start3A_111 = tpu.memref_slice %arg5[%add3A_110] : memref<16528xf32, #tpu.memory_space<vmem>> -> memref<128xf32, #tpu.memory_space<vmem>>
      %dma_start3A_112 = tpu.memref_slice %arg2[%add3A_106] : memref<16777216xf32, #tpu.memory_space<hbm>> -> memref<128xf32, #tpu.memory_space<hbm>>
      %dma_start3A_113 = tpu.memref_slice %arg5[%add3A_110] : memref<16528xf32, #tpu.memory_space<vmem>> -> memref<128xf32, #tpu.memory_space<vmem>>
      %dma_start3A_114 = tpu.memref_slice %arg2[%add3A_106] : memref<16777216xf32, #tpu.memory_space<hbm>> -> memref<128xf32, #tpu.memory_space<hbm>>
      tpu.enqueue_dma source(%dma_start3A_114 : memref<128xf32, #tpu.memory_space<hbm>>) target(%dma_start3A_113 : memref<128xf32, #tpu.memory_space<vmem>>) target_semaphore(%arg9 : memref<!tpu.dma_semaphore, #tpu.memory_space<semaphore_mem>>)
      %scan3A_115 = arith.constant 3 : i32
      %scan3A_116 = arith.addi %scan3A_78, %scan3A_115 : i32
      %mul3A_117 = arith.constant 1024 : i32
      %mul3A_118 = arith.muli %scan3A_116, %mul3A_117 : i32
      %add3A_119 = arith.addi %add3A_27, %mul3A_118 : i32
      %mul3A_120 = arith.constant 128 : i32
      %mul3A_121 = arith.muli %scan3A_116, %mul3A_120 : i32
      %add3A_122 = arith.constant 128 : i32
      %add3A_123 = arith.addi %add3A_122, %mul3A_121 : i32
      %dma_start3A_124 = tpu.memref_slice %arg5[%add3A_123] : memref<16528xf32, #tpu.memory_space<vmem>> -> memref<128xf32, #tpu.memory_space<vmem>>
      %dma_start3A_125 = tpu.memref_slice %arg2[%add3A_119] : memref<16777216xf32, #tpu.memory_space<hbm>> -> memref<128xf32, #tpu.memory_space<hbm>>
      %dma_start3A_126 = tpu.memref_slice %arg5[%add3A_123] : memref<16528xf32, #tpu.memory_space<vmem>> -> memref<128xf32, #tpu.memory_space<vmem>>
      %dma_start3A_127 = tpu.memref_slice %arg2[%add3A_119] : memref<16777216xf32, #tpu.memory_space<hbm>> -> memref<128xf32, #tpu.memory_space<hbm>>
      tpu.enqueue_dma source(%dma_start3A_127 : memref<128xf32, #tpu.memory_space<hbm>>) target(%dma_start3A_126 : memref<128xf32, #tpu.memory_space<vmem>>) target_semaphore(%arg9 : memref<!tpu.dma_semaphore, #tpu.memory_space<semaphore_mem>>)
      %scan3A_128 = arith.constant 4 : i32
      %scan3A_129 = arith.addi %scan3A_78, %scan3A_128 : i32
      %mul3A_130 = arith.constant 1024 : i32
      %mul3A_131 = arith.muli %scan3A_129, %mul3A_130 : i32
      %add3A_132 = arith.addi %add3A_27, %mul3A_131 : i32
      %mul3A_133 = arith.constant 128 : i32
      %mul3A_134 = arith.muli %scan3A_129, %mul3A_133 : i32
      %add3A_135 = arith.constant 128 : i32
      %add3A_136 = arith.addi %add3A_135, %mul3A_134 : i32
      %dma_start3A_137 = tpu.memref_slice %arg5[%add3A_136] : memref<16528xf32, #tpu.memory_space<vmem>> -> memref<128xf32, #tpu.memory_space<vmem>>
      %dma_start3A_138 = tpu.memref_slice %arg2[%add3A_132] : memref<16777216xf32, #tpu.memory_space<hbm>> -> memref<128xf32, #tpu.memory_space<hbm>>
      %dma_start3A_139 = tpu.memref_slice %arg5[%add3A_136] : memref<16528xf32, #tpu.memory_space<vmem>> -> memref<128xf32, #tpu.memory_space<vmem>>
      %dma_start3A_140 = tpu.memref_slice %arg2[%add3A_132] : memref<16777216xf32, #tpu.memory_space<hbm>> -> memref<128xf32, #tpu.memory_space<hbm>>
      tpu.enqueue_dma source(%dma_start3A_140 : memref<128xf32, #tpu.memory_space<hbm>>) target(%dma_start3A_139 : memref<128xf32, #tpu.memory_space<vmem>>) target_semaphore(%arg9 : memref<!tpu.dma_semaphore, #tpu.memory_space<semaphore_mem>>)
      %scan3A_141 = arith.constant 5 : i32
      %scan3A_142 = arith.addi %scan3A_78, %scan3A_141 : i32
      %mul3A_143 = arith.constant 1024 : i32
      %mul3A_144 = arith.muli %scan3A_142, %mul3A_143 : i32
      %add3A_145 = arith.addi %add3A_27, %mul3A_144 : i32
      %mul3A_146 = arith.constant 128 : i32
      %mul3A_147 = arith.muli %scan3A_142, %mul3A_146 : i32
      %add3A_148 = arith.constant 128 : i32
      %add3A_149 = arith.addi %add3A_148, %mul3A_147 : i32
      %dma_start3A_150 = tpu.memref_slice %arg5[%add3A_149] : memref<16528xf32, #tpu.memory_space<vmem>> -> memref<128xf32, #tpu.memory_space<vmem>>
      %dma_start3A_151 = tpu.memref_slice %arg2[%add3A_145] : memref<16777216xf32, #tpu.memory_space<hbm>> -> memref<128xf32, #tpu.memory_space<hbm>>
      %dma_start3A_152 = tpu.memref_slice %arg5[%add3A_149] : memref<16528xf32, #tpu.memory_space<vmem>> -> memref<128xf32, #tpu.memory_space<vmem>>
      %dma_start3A_153 = tpu.memref_slice %arg2[%add3A_145] : memref<16777216xf32, #tpu.memory_space<hbm>> -> memref<128xf32, #tpu.memory_space<hbm>>
      tpu.enqueue_dma source(%dma_start3A_153 : memref<128xf32, #tpu.memory_space<hbm>>) target(%dma_start3A_152 : memref<128xf32, #tpu.memory_space<vmem>>) target_semaphore(%arg9 : memref<!tpu.dma_semaphore, #tpu.memory_space<semaphore_mem>>)
      %scan3A_154 = arith.constant 6 : i32
      %scan3A_155 = arith.addi %scan3A_78, %scan3A_154 : i32
      %mul3A_156 = arith.constant 1024 : i32
      %mul3A_157 = arith.muli %scan3A_155, %mul3A_156 : i32
      %add3A_158 = arith.addi %add3A_27, %mul3A_157 : i32
      %mul3A_159 = arith.constant 128 : i32
      %mul3A_160 = arith.muli %scan3A_155, %mul3A_159 : i32
      %add3A_161 = arith.constant 128 : i32
      %add3A_162 = arith.addi %add3A_161, %mul3A_160 : i32
      %dma_start3A_163 = tpu.memref_slice %arg5[%add3A_162] : memref<16528xf32, #tpu.memory_space<vmem>> -> memref<128xf32, #tpu.memory_space<vmem>>
      %dma_start3A_164 = tpu.memref_slice %arg2[%add3A_158] : memref<16777216xf32, #tpu.memory_space<hbm>> -> memref<128xf32, #tpu.memory_space<hbm>>
      %dma_start3A_165 = tpu.memref_slice %arg5[%add3A_162] : memref<16528xf32, #tpu.memory_space<vmem>> -> memref<128xf32, #tpu.memory_space<vmem>>
      %dma_start3A_166 = tpu.memref_slice %arg2[%add3A_158] : memref<16777216xf32, #tpu.memory_space<hbm>> -> memref<128xf32, #tpu.memory_space<hbm>>
      tpu.enqueue_dma source(%dma_start3A_166 : memref<128xf32, #tpu.memory_space<hbm>>) target(%dma_start3A_165 : memref<128xf32, #tpu.memory_space<vmem>>) target_semaphore(%arg9 : memref<!tpu.dma_semaphore, #tpu.memory_space<semaphore_mem>>)
      %scan3A_167 = arith.constant 7 : i32
      %scan3A_168 = arith.addi %scan3A_78, %scan3A_167 : i32
      %mul3A_169 = arith.constant 1024 : i32
      %mul3A_170 = arith.muli %scan3A_168, %mul3A_169 : i32
      %add3A_171 = arith.addi %add3A_27, %mul3A_170 : i32
      %mul3A_172 = arith.constant 128 : i32
      %mul3A_173 = arith.muli %scan3A_168, %mul3A_172 : i32
      %add3A_174 = arith.constant 128 : i32
      %add3A_175 = arith.addi %add3A_174, %mul3A_173 : i32
      %dma_start3A_176 = tpu.memref_slice %arg5[%add3A_175] : memref<16528xf32, #tpu.memory_space<vmem>> -> memref<128xf32, #tpu.memory_space<vmem>>
      %dma_start3A_177 = tpu.memref_slice %arg2[%add3A_171] : memref<16777216xf32, #tpu.memory_space<hbm>> -> memref<128xf32, #tpu.memory_space<hbm>>
      %dma_start3A_178 = tpu.memref_slice %arg5[%add3A_175] : memref<16528xf32, #tpu.memory_space<vmem>> -> memref<128xf32, #tpu.memory_space<vmem>>
      %dma_start3A_179 = tpu.memref_slice %arg2[%add3A_171] : memref<16777216xf32, #tpu.memory_space<hbm>> -> memref<128xf32, #tpu.memory_space<hbm>>
      tpu.enqueue_dma source(%dma_start3A_179 : memref<128xf32, #tpu.memory_space<hbm>>) target(%dma_start3A_178 : memref<128xf32, #tpu.memory_space<vmem>>) target_semaphore(%arg9 : memref<!tpu.dma_semaphore, #tpu.memory_space<semaphore_mem>>)
    }
    %scan3A_33 = arith.constant 128 : i32
    %scan3A_34 = arith.constant 0 : i32
    %scan3A_35 = arith.constant 0 : i32
    %scan3A_36 = arith.constant 16 : i32
    %scan3A_37 = arith.addi %scan3A_35, %scan3A_36 : i32
    %scan3A_38 = arith.constant 1 : i32
    scf.for %scan3A_78 = %scan3A_35 to %scan3A_37 step %scan3A_38  : i32 {
      %mul3A_79 = arith.constant 2 : i32
      %mul3A_80 = arith.muli %mul3A_79, %scan3A_78 : i32
      %add3A_81 = arith.addi %mul3A_2, %mul3A_80 : i32
      %dma_wait3A_82 = arith.constant 128 : i32
      %dma_wait3A_83 = tpu.memref_slice %arg4[%dma_wait3A_82] : memref<16528xf32, #tpu.memory_space<vmem>> -> memref<16384xf32, #tpu.memory_space<vmem>>
      %dma_wait3A_84 = arith.constant 0 : i32
      %dma_wait3A_85 = tpu.memref_slice %arg2[%dma_wait3A_84] : memref<16777216xf32, #tpu.memory_space<hbm>> -> memref<16384xf32, #tpu.memory_space<hbm>>
      %dma_wait3A_86 = arith.constant 128 : i32
      %dma_wait3A_87 = tpu.memref_slice %arg4[%dma_wait3A_86] : memref<16528xf32, #tpu.memory_space<vmem>> -> memref<16384xf32, #tpu.memory_space<vmem>>
      %dma_wait3A_88 = arith.constant 0 : i32
      %dma_wait3A_89 = tpu.memref_slice %arg2[%dma_wait3A_88] : memref<16777216xf32, #tpu.memory_space<hbm>> -> memref<16384xf32, #tpu.memory_space<hbm>>
      tpu.wait_dma2 semaphore(%arg8 : memref<!tpu.dma_semaphore, #tpu.memory_space<semaphore_mem>>) src(%dma_wait3A_89 : memref<16384xf32, #tpu.memory_space<hbm>>) dst(%dma_wait3A_87 : memref<16384xf32, #tpu.memory_space<vmem>>)
      %dma_wait3A_90 = arith.constant 128 : i32
      %dma_wait3A_91 = tpu.memref_slice %arg5[%dma_wait3A_90] : memref<16528xf32, #tpu.memory_space<vmem>> -> memref<16384xf32, #tpu.memory_space<vmem>>
      %dma_wait3A_92 = arith.constant 0 : i32
      %dma_wait3A_93 = tpu.memref_slice %arg2[%dma_wait3A_92] : memref<16777216xf32, #tpu.memory_space<hbm>> -> memref<16384xf32, #tpu.memory_space<hbm>>
      %dma_wait3A_94 = arith.constant 128 : i32
      %dma_wait3A_95 = tpu.memref_slice %arg5[%dma_wait3A_94] : memref<16528xf32, #tpu.memory_space<vmem>> -> memref<16384xf32, #tpu.memory_space<vmem>>
      %dma_wait3A_96 = arith.constant 0 : i32
      %dma_wait3A_97 = tpu.memref_slice %arg2[%dma_wait3A_96] : memref<16777216xf32, #tpu.memory_space<hbm>> -> memref<16384xf32, #tpu.memory_space<hbm>>
      tpu.wait_dma2 semaphore(%arg9 : memref<!tpu.dma_semaphore, #tpu.memory_space<semaphore_mem>>) src(%dma_wait3A_97 : memref<16384xf32, #tpu.memory_space<hbm>>) dst(%dma_wait3A_95 : memref<16384xf32, #tpu.memory_space<vmem>>)
      %gt3A = arith.constant 0 : i32
      %gt3A_98 = arith.cmpi sgt, %scan3A_78, %gt3A : i32
      %convert_element_type3A = arith.extui %gt3A_98 : i1 to i32
      %cond3A = arith.constant 0 : i32
      %cond3A_99 = arith.cmpi ne, %convert_element_type3A, %cond3A : i32
      scf.if %cond3A_99 {
        %sub3A_147 = arith.constant 2 : i32
        %sub3A_148 = arith.subi %add3A_81, %sub3A_147 : i32
        %add3A_149 = arith.constant 0 : i32
        %add3A_150 = arith.addi %sub3A_148, %add3A_149 : i32
        %dma_wait3A_151 = arith.constant 0 : i32
        %dma_wait3A_152 = arith.constant 0 : i32
        %dma_wait3A_153 = tpu.memref_slice %arg6[%dma_wait3A_151, %dma_wait3A_152] : memref<129x255xf32, #tpu.memory_space<vmem>> -> memref<128x255xf32, #tpu.memory_space<vmem>>
        %dma_wait3A_154 = arith.constant 0 : i32
        %dma_wait3A_155 = arith.constant 0 : i32
        %dma_wait3A_156 = tpu.memref_slice %arg3[%add3A_150, %dma_wait3A_154, %dma_wait3A_155] : memref<1024x128x255xf32, #tpu.memory_space<hbm>> -> memref<1x128x255xf32, #tpu.memory_space<hbm>>
        %dma_wait3A_157 = tpu.memref_squeeze %dma_wait3A_156 : memref<1x128x255xf32, #tpu.memory_space<hbm>> -> memref<128x255xf32, #tpu.memory_space<hbm>>
        %dma_wait3A_158 = arith.constant 0 : i32
        %dma_wait3A_159 = arith.constant 0 : i32
        %dma_wait3A_160 = tpu.memref_slice %arg3[%add3A_150, %dma_wait3A_158, %dma_wait3A_159] : memref<1024x128x255xf32, #tpu.memory_space<hbm>> -> memref<1x128x255xf32, #tpu.memory_space<hbm>>
        %dma_wait3A_161 = tpu.memref_squeeze %dma_wait3A_160 : memref<1x128x255xf32, #tpu.memory_space<hbm>> -> memref<128x255xf32, #tpu.memory_space<hbm>>
        %dma_wait3A_162 = arith.constant 0 : i32
        %dma_wait3A_163 = arith.constant 0 : i32
        %dma_wait3A_164 = tpu.memref_slice %arg6[%dma_wait3A_162, %dma_wait3A_163] : memref<129x255xf32, #tpu.memory_space<vmem>> -> memref<128x255xf32, #tpu.memory_space<vmem>>
        tpu.wait_dma2 semaphore(%arg10 : memref<!tpu.dma_semaphore, #tpu.memory_space<semaphore_mem>>) src(%dma_wait3A_164 : memref<128x255xf32, #tpu.memory_space<vmem>>) dst(%dma_wait3A_161 : memref<128x255xf32, #tpu.memory_space<hbm>>)
        %sub3A_165 = arith.constant 2 : i32
        %sub3A_166 = arith.subi %add3A_81, %sub3A_165 : i32
        %add3A_167 = arith.constant 1 : i32
        %add3A_168 = arith.addi %sub3A_166, %add3A_167 : i32
        %dma_wait3A_169 = arith.constant 0 : i32
        %dma_wait3A_170 = arith.constant 0 : i32
        %dma_wait3A_171 = tpu.memref_slice %arg7[%dma_wait3A_169, %dma_wait3A_170] : memref<129x255xf32, #tpu.memory_space<vmem>> -> memref<128x255xf32, #tpu.memory_space<vmem>>
        %dma_wait3A_172 = arith.constant 0 : i32
        %dma_wait3A_173 = arith.constant 0 : i32
        %dma_wait3A_174 = tpu.memref_slice %arg3[%add3A_168, %dma_wait3A_172, %dma_wait3A_173] : memref<1024x128x255xf32, #tpu.memory_space<hbm>> -> memref<1x128x255xf32, #tpu.memory_space<hbm>>
        %dma_wait3A_175 = tpu.memref_squeeze %dma_wait3A_174 : memref<1x128x255xf32, #tpu.memory_space<hbm>> -> memref<128x255xf32, #tpu.memory_space<hbm>>
        %dma_wait3A_176 = arith.constant 0 : i32
        %dma_wait3A_177 = arith.constant 0 : i32
        %dma_wait3A_178 = tpu.memref_slice %arg3[%add3A_168, %dma_wait3A_176, %dma_wait3A_177] : memref<1024x128x255xf32, #tpu.memory_space<hbm>> -> memref<1x128x255xf32, #tpu.memory_space<hbm>>
        %dma_wait3A_179 = tpu.memref_squeeze %dma_wait3A_178 : memref<1x128x255xf32, #tpu.memory_space<hbm>> -> memref<128x255xf32, #tpu.memory_space<hbm>>
        %dma_wait3A_180 = arith.constant 0 : i32
        %dma_wait3A_181 = arith.constant 0 : i32
        %dma_wait3A_182 = tpu.memref_slice %arg7[%dma_wait3A_180, %dma_wait3A_181] : memref<129x255xf32, #tpu.memory_space<vmem>> -> memref<128x255xf32, #tpu.memory_space<vmem>>
        tpu.wait_dma2 semaphore(%arg11 : memref<!tpu.dma_semaphore, #tpu.memory_space<semaphore_mem>>) src(%dma_wait3A_182 : memref<128x255xf32, #tpu.memory_space<vmem>>) dst(%dma_wait3A_179 : memref<128x255xf32, #tpu.memory_space<hbm>>)
      } else {
      }
      %parallel_loop3A = arith.constant 0 : i32
      %parallel_loop3A_100 = arith.constant 2032 : i32
      %parallel_loop3A_101 = arith.constant 1 : i32
      scf.for %parallel_loop3A_147 = %parallel_loop3A to %parallel_loop3A_100 step %parallel_loop3A_101  : i32 {
        %parallel_loop3A_148 = arith.constant 4 : i32
        %parallel_loop3A_149 = arith.shrsi %parallel_loop3A_147, %parallel_loop3A_148 : i32
        %parallel_loop3A_150 = arith.constant 15 : i32
        %parallel_loop3A_151 = arith.andi %parallel_loop3A_147, %parallel_loop3A_150 : i32
        %parallel_loop3A_152 = arith.constant 16 : i32
        %parallel_loop3A_153 = arith.muli %parallel_loop3A_151, %parallel_loop3A_152 : i32
        %parallel_loop3A_154 = arith.muli %parallel_loop3A_149, %parallel_loop3A_149 : i32
        %parallel_loop3A_155 = arith.addi %parallel_loop3A_154, %parallel_loop3A_149 : i32
        %parallel_loop3A_156 = arith.constant 127 : i32
        %parallel_loop3A_157 = arith.subi %parallel_loop3A_155, %parallel_loop3A_156 : i32
        %parallel_loop3A_158 = arith.constant 128 : i32
        %parallel_loop3A_159 = arith.addi %parallel_loop3A_157, %parallel_loop3A_158 : i32
        %parallel_loop3A_160 = arith.addi %parallel_loop3A_159, %parallel_loop3A_153 : i32
        %parallel_loop3A_161 = arith.constant 127 : i32
        %parallel_loop3A_162 = arith.subi %parallel_loop3A_153, %parallel_loop3A_161 : i32
        %parallel_loop3A_163 = vector.broadcast %parallel_loop3A_162 : i32 to vector<16xi32>
        %parallel_loop3A_164 = arith.addi %iota3A, %parallel_loop3A_163 : vector<16xi32>
        %parallel_loop3A_165 = math.absi %parallel_loop3A_164 : vector<16xi32>
        %parallel_loop3A_166 = vector.broadcast %parallel_loop3A_149 : i32 to vector<16xi32>
        %parallel_loop3A_167 = arith.cmpi sle, %parallel_loop3A_165, %parallel_loop3A_166 : vector<16xi32>
        %parallel_loop3A_168 = arith.index_cast %parallel_loop3A_160 : i32 to index
        %parallel_loop3A_169 = tpu.vector_load %arg4[%parallel_loop3A_168] {strides = array<i32>} : memref<16528xf32, #tpu.memory_space<vmem>>, vector<16xf32>,
        %parallel_loop3A_170 = vector.shape_cast %parallel_loop3A_169 : vector<16xf32> to vector<16xf32>
        %parallel_loop3A_171 = arith.index_cast %parallel_loop3A_160 : i32 to index
        %parallel_loop3A_172 = tpu.vector_load %arg5[%parallel_loop3A_171] {strides = array<i32>} : memref<16528xf32, #tpu.memory_space<vmem>>, vector<16xf32>,
        %parallel_loop3A_173 = vector.shape_cast %parallel_loop3A_172 : vector<16xf32> to vector<16xf32>
        %parallel_loop3A_174 = arith.constant 0.000000e+00 : f32
        %parallel_loop3A_175 = vector.broadcast %parallel_loop3A_174 : f32 to vector<16xf32>
        %parallel_loop3A_176 = arith.select %parallel_loop3A_167, %parallel_loop3A_170, %parallel_loop3A_175 : vector<16xi1>, vector<16xf32>
        %parallel_loop3A_177 = arith.index_cast %parallel_loop3A_149 : i32 to index
        %parallel_loop3A_178 = arith.index_cast %parallel_loop3A_153 : i32 to index
        %parallel_loop3A_179 = tpu.vector_load %arg6[%parallel_loop3A_177, %parallel_loop3A_178] {strides = array<i32>} : memref<129x255xf32, #tpu.memory_space<vmem>>, vector<1x16xf32>,
        %parallel_loop3A_180 = vector.shape_cast %parallel_loop3A_179 : vector<1x16xf32> to vector<16xf32>
        %parallel_loop3A_181 = vector.shape_cast %parallel_loop3A_176 : vector<16xf32> to vector<1x16xf32>
        tpu.vector_store %arg6[%parallel_loop3A_177, %parallel_loop3A_178], %parallel_loop3A_181 {strides = array<i32>} : memref<129x255xf32, #tpu.memory_space<vmem>>, vector<1x16xf32>,
        %parallel_loop3A_182 = arith.constant 0.000000e+00 : f32
        %parallel_loop3A_183 = vector.broadcast %parallel_loop3A_182 : f32 to vector<16xf32>
        %parallel_loop3A_184 = arith.select %parallel_loop3A_167, %parallel_loop3A_173, %parallel_loop3A_183 : vector<16xi1>, vector<16xf32>
        %parallel_loop3A_185 = arith.index_cast %parallel_loop3A_149 : i32 to index
        %parallel_loop3A_186 = arith.index_cast %parallel_loop3A_153 : i32 to index
        %parallel_loop3A_187 = tpu.vector_load %arg7[%parallel_loop3A_185, %parallel_loop3A_186] {strides = array<i32>} : memref<129x255xf32, #tpu.memory_space<vmem>>, vector<1x16xf32>,
        %parallel_loop3A_188 = vector.shape_cast %parallel_loop3A_187 : vector<1x16xf32> to vector<16xf32>
        %parallel_loop3A_189 = vector.shape_cast %parallel_loop3A_184 : vector<16xf32> to vector<1x16xf32>
        tpu.vector_store %arg7[%parallel_loop3A_185, %parallel_loop3A_186], %parallel_loop3A_189 {strides = array<i32>} : memref<129x255xf32, #tpu.memory_space<vmem>>, vector<1x16xf32>,
      } {sc.loop_unroll_factor = 8 : i64, sc.parallel_access}
      %scan3A_102 = arith.constant 0 : i32
      %scan3A_103 = arith.constant 2032 : i32
      %scan3A_104 = arith.constant 16 : i32
      %scan3A_105 = arith.addi %scan3A_103, %scan3A_104 : i32
      %scan3A_106 = arith.constant 1 : i32
      scf.for %scan3A_147 = %scan3A_103 to %scan3A_105 step %scan3A_106  : i32 {
        %shift_right_arithmetic3A_148 = arith.constant 4 : i32
        %shift_right_arithmetic3A_149 = arith.shrsi %scan3A_147, %shift_right_arithmetic3A_148 : i32
        %and3A_150 = arith.constant 15 : i32
        %and3A_151 = arith.andi %scan3A_147, %and3A_150 : i32
        %mul3A_152 = arith.constant 16 : i32
        %mul3A_153 = arith.muli %and3A_151, %mul3A_152 : i32
        %mul3A_154 = arith.muli %shift_right_arithmetic3A_149, %shift_right_arithmetic3A_149 : i32
        %add3A_155 = arith.addi %mul3A_154, %shift_right_arithmetic3A_149 : i32
        %sub3A_156 = arith.constant 127 : i32
        %sub3A_157 = arith.subi %add3A_155, %sub3A_156 : i32
        %add3A_158 = arith.constant 128 : i32
        %add3A_159 = arith.addi %sub3A_157, %add3A_158 : i32
        %add3A_160 = arith.addi %add3A_159, %mul3A_153 : i32
        %sub3A_161 = arith.constant 127 : i32
        %sub3A_162 = arith.subi %mul3A_153, %sub3A_161 : i32
        %add3A_163 = vector.broadcast %sub3A_162 : i32 to vector<16xi32>
        %add3A_164 = arith.addi %iota3A, %add3A_163 : vector<16xi32>
        %abs3A = math.absi %add3A_164 : vector<16xi32>
        %le3A = vector.broadcast %shift_right_arithmetic3A_149 : i32 to vector<16xi32>
        %le3A_165 = arith.cmpi sle, %abs3A, %le3A : vector<16xi32>
        %get3A = arith.index_cast %add3A_160 : i32 to index
        %get3A_166 = tpu.vector_load %arg4[%get3A] {strides = array<i32>} : memref<16528xf32, #tpu.memory_space<vmem>>, vector<16xf32>,
        %get3A_167 = vector.shape_cast %get3A_166 : vector<16xf32> to vector<16xf32>
        %get3A_168 = arith.index_cast %add3A_160 : i32 to index
        %get3A_169 = tpu.vector_load %arg5[%get3A_168] {strides = array<i32>} : memref<16528xf32, #tpu.memory_space<vmem>>, vector<16xf32>,
        %get3A_170 = vector.shape_cast %get3A_169 : vector<16xf32> to vector<16xf32>
        %jit3A = arith.constant 0.000000e+00 : f32
        %broadcast_in_dim3A = vector.broadcast %jit3A : f32 to vector<16xf32>
        %select_n3A = arith.select %le3A_165, %get3A_167, %broadcast_in_dim3A : vector<16xi1>, vector<16xf32>
        %swap3A = arith.index_cast %shift_right_arithmetic3A_149 : i32 to index
        %swap3A_171 = arith.index_cast %mul3A_153 : i32 to index
        %swap3A_172 = tpu.vector_load %arg6[%swap3A, %swap3A_171] {strides = array<i32>} : memref<129x255xf32, #tpu.memory_space<vmem>>, vector<1x16xf32>,
        %swap3A_173 = vector.shape_cast %swap3A_172 : vector<1x16xf32> to vector<16xf32>
        %swap3A_174 = vector.shape_cast %select_n3A : vector<16xf32> to vector<1x16xf32>
        tpu.vector_store %arg6[%swap3A, %swap3A_171], %swap3A_174 {strides = array<i32>} : memref<129x255xf32, #tpu.memory_space<vmem>>, vector<1x16xf32>,
        %jit3A_175 = arith.constant 0.000000e+00 : f32
        %broadcast_in_dim3A_176 = vector.broadcast %jit3A_175 : f32 to vector<16xf32>
        %select_n3A_177 = arith.select %le3A_165, %get3A_170, %broadcast_in_dim3A_176 : vector<16xi1>, vector<16xf32>
        %swap3A_178 = arith.index_cast %shift_right_arithmetic3A_149 : i32 to index
        %swap3A_179 = arith.index_cast %mul3A_153 : i32 to index
        %swap3A_180 = tpu.vector_load %arg7[%swap3A_178, %swap3A_179] {strides = array<i32>} : memref<129x255xf32, #tpu.memory_space<vmem>>, vector<1x16xf32>,
        %swap3A_181 = vector.shape_cast %swap3A_180 : vector<1x16xf32> to vector<16xf32>
        %swap3A_182 = vector.shape_cast %select_n3A_177 : vector<16xf32> to vector<1x16xf32>
        tpu.vector_store %arg7[%swap3A_178, %swap3A_179], %swap3A_182 {strides = array<i32>} : memref<129x255xf32, #tpu.memory_space<vmem>>, vector<1x16xf32>,
      }
      %scan3A_107 = arith.constant 16 : i32
      %add3A_108 = arith.constant 0 : i32
      %add3A_109 = arith.addi %add3A_81, %add3A_108 : i32
      %dma_start3A = arith.constant 0 : i32
      %dma_start3A_110 = arith.constant 0 : i32
      %dma_start3A_111 = tpu.memref_slice %arg6[%dma_start3A, %dma_start3A_110] : memref<129x255xf32, #tpu.memory_space<vmem>> -> memref<128x255xf32, #tpu.memory_space<vmem>>
      %dma_start3A_112 = arith.constant 0 : i32
      %dma_start3A_113 = arith.constant 0 : i32
      %dma_start3A_114 = tpu.memref_slice %arg3[%add3A_109, %dma_start3A_112, %dma_start3A_113] : memref<1024x128x255xf32, #tpu.memory_space<hbm>> -> memref<1x128x255xf32, #tpu.memory_space<hbm>>
      %dma_start3A_115 = tpu.memref_squeeze %dma_start3A_114 : memref<1x128x255xf32, #tpu.memory_space<hbm>> -> memref<128x255xf32, #tpu.memory_space<hbm>>
      %dma_start3A_116 = arith.constant 0 : i32
      %dma_start3A_117 = arith.constant 0 : i32
      %dma_start3A_118 = tpu.memref_slice %arg3[%add3A_109, %dma_start3A_116, %dma_start3A_117] : memref<1024x128x255xf32, #tpu.memory_space<hbm>> -> memref<1x128x255xf32, #tpu.memory_space<hbm>>
      %dma_start3A_119 = tpu.memref_squeeze %dma_start3A_118 : memref<1x128x255xf32, #tpu.memory_space<hbm>> -> memref<128x255xf32, #tpu.memory_space<hbm>>
      %dma_start3A_120 = arith.constant 0 : i32
      %dma_start3A_121 = arith.constant 0 : i32
      %dma_start3A_122 = tpu.memref_slice %arg6[%dma_start3A_120, %dma_start3A_121] : memref<129x255xf32, #tpu.memory_space<vmem>> -> memref<128x255xf32, #tpu.memory_space<vmem>>
      tpu.enqueue_dma source(%dma_start3A_122 : memref<128x255xf32, #tpu.memory_space<vmem>>) target(%dma_start3A_119 : memref<128x255xf32, #tpu.memory_space<hbm>>) target_semaphore(%arg10 : memref<!tpu.dma_semaphore, #tpu.memory_space<semaphore_mem>>)
      %add3A_123 = arith.constant 1 : i32
      %add3A_124 = arith.addi %add3A_81, %add3A_123 : i32
      %dma_start3A_125 = arith.constant 0 : i32
      %dma_start3A_126 = arith.constant 0 : i32
      %dma_start3A_127 = tpu.memref_slice %arg7[%dma_start3A_125, %dma_start3A_126] : memref<129x255xf32, #tpu.memory_space<vmem>> -> memref<128x255xf32, #tpu.memory_space<vmem>>
      %dma_start3A_128 = arith.constant 0 : i32
      %dma_start3A_129 = arith.constant 0 : i32
      %dma_start3A_130 = tpu.memref_slice %arg3[%add3A_124, %dma_start3A_128, %dma_start3A_129] : memref<1024x128x255xf32, #tpu.memory_space<hbm>> -> memref<1x128x255xf32, #tpu.memory_space<hbm>>
      %dma_start3A_131 = tpu.memref_squeeze %dma_start3A_130 : memref<1x128x255xf32, #tpu.memory_space<hbm>> -> memref<128x255xf32, #tpu.memory_space<hbm>>
      %dma_start3A_132 = arith.constant 0 : i32
      %dma_start3A_133 = arith.constant 0 : i32
      %dma_start3A_134 = tpu.memref_slice %arg3[%add3A_124, %dma_start3A_132, %dma_start3A_133] : memref<1024x128x255xf32, #tpu.memory_space<hbm>> -> memref<1x128x255xf32, #tpu.memory_space<hbm>>
      %dma_start3A_135 = tpu.memref_squeeze %dma_start3A_134 : memref<1x128x255xf32, #tpu.memory_space<hbm>> -> memref<128x255xf32, #tpu.memory_space<hbm>>
      %dma_start3A_136 = arith.constant 0 : i32
      %dma_start3A_137 = arith.constant 0 : i32
      %dma_start3A_138 = tpu.memref_slice %arg7[%dma_start3A_136, %dma_start3A_137] : memref<129x255xf32, #tpu.memory_space<vmem>> -> memref<128x255xf32, #tpu.memory_space<vmem>>
      tpu.enqueue_dma source(%dma_start3A_138 : memref<128x255xf32, #tpu.memory_space<vmem>>) target(%dma_start3A_135 : memref<128x255xf32, #tpu.memory_space<hbm>>) target_semaphore(%arg11 : memref<!tpu.dma_semaphore, #tpu.memory_space<semaphore_mem>>)
      %mul3A_139 = arith.constant 2 : i32
      %mul3A_140 = arith.muli %mul3A_139, %scan3A_78 : i32
      %add3A_141 = arith.constant 2 : i32
      %add3A_142 = arith.addi %mul3A_140, %add3A_141 : i32
      %lt3A = arith.constant 32 : i32
      %lt3A_143 = arith.cmpi slt, %add3A_142, %lt3A : i32
      %convert_element_type3A_144 = arith.extui %lt3A_143 : i1 to i32
      %cond3A_145 = arith.constant 0 : i32
      %cond3A_146 = arith.cmpi ne, %convert_element_type3A_144, %cond3A_145 : i32
      scf.if %cond3A_146 {
        %add3A_147 = arith.constant 2 : i32
        %add3A_148 = arith.addi %add3A_81, %add3A_147 : i32
        %add3A_149 = arith.constant 0 : i32
        %add3A_150 = arith.addi %add3A_148, %add3A_149 : i32
        %shift_right_arithmetic3A_151 = arith.constant 3 : i32
        %shift_right_arithmetic3A_152 = arith.shrsi %add3A_150, %shift_right_arithmetic3A_151 : i32
        %mul3A_153 = arith.constant 131072 : i32
        %mul3A_154 = arith.muli %shift_right_arithmetic3A_152, %mul3A_153 : i32
        %and3A_155 = arith.constant 7 : i32
        %and3A_156 = arith.andi %add3A_150, %and3A_155 : i32
        %mul3A_157 = arith.constant 128 : i32
        %mul3A_158 = arith.muli %and3A_156, %mul3A_157 : i32
        %add3A_159 = arith.addi %mul3A_154, %mul3A_158 : i32
        %scan3A_160 = arith.constant 0 : i32
        %scan3A_161 = arith.constant 0 : i32
        %scan3A_162 = arith.constant 128 : i32
        %scan3A_163 = arith.addi %scan3A_161, %scan3A_162 : i32
        %scan3A_164 = arith.constant 8 : i32
        scf.for %scan3A_185 = %scan3A_161 to %scan3A_163 step %scan3A_164  : i32 {
          %mul3A_186 = arith.constant 1024 : i32
          %mul3A_187 = arith.muli %scan3A_185, %mul3A_186 : i32
          %add3A_188 = arith.addi %add3A_159, %mul3A_187 : i32
          %mul3A_189 = arith.constant 128 : i32
          %mul3A_190 = arith.muli %scan3A_185, %mul3A_189 : i32
          %add3A_191 = arith.constant 128 : i32
          %add3A_192 = arith.addi %add3A_191, %mul3A_190 : i32
          %dma_start3A_193 = tpu.memref_slice %arg4[%add3A_192] : memref<16528xf32, #tpu.memory_space<vmem>> -> memref<128xf32, #tpu.memory_space<vmem>>
          %dma_start3A_194 = tpu.memref_slice %arg2[%add3A_188] : memref<16777216xf32, #tpu.memory_space<hbm>> -> memref<128xf32, #tpu.memory_space<hbm>>
          %dma_start3A_195 = tpu.memref_slice %arg4[%add3A_192] : memref<16528xf32, #tpu.memory_space<vmem>> -> memref<128xf32, #tpu.memory_space<vmem>>
          %dma_start3A_196 = tpu.memref_slice %arg2[%add3A_188] : memref<16777216xf32, #tpu.memory_space<hbm>> -> memref<128xf32, #tpu.memory_space<hbm>>
          tpu.enqueue_dma source(%dma_start3A_196 : memref<128xf32, #tpu.memory_space<hbm>>) target(%dma_start3A_195 : memref<128xf32, #tpu.memory_space<vmem>>) target_semaphore(%arg8 : memref<!tpu.dma_semaphore, #tpu.memory_space<semaphore_mem>>)
          %scan3A_197 = arith.constant 1 : i32
          %scan3A_198 = arith.addi %scan3A_185, %scan3A_197 : i32
          %mul3A_199 = arith.constant 1024 : i32
          %mul3A_200 = arith.muli %scan3A_198, %mul3A_199 : i32
          %add3A_201 = arith.addi %add3A_159, %mul3A_200 : i32
          %mul3A_202 = arith.constant 128 : i32
          %mul3A_203 = arith.muli %scan3A_198, %mul3A_202 : i32
          %add3A_204 = arith.constant 128 : i32
          %add3A_205 = arith.addi %add3A_204, %mul3A_203 : i32
          %dma_start3A_206 = tpu.memref_slice %arg4[%add3A_205] : memref<16528xf32, #tpu.memory_space<vmem>> -> memref<128xf32, #tpu.memory_space<vmem>>
          %dma_start3A_207 = tpu.memref_slice %arg2[%add3A_201] : memref<16777216xf32, #tpu.memory_space<hbm>> -> memref<128xf32, #tpu.memory_space<hbm>>
          %dma_start3A_208 = tpu.memref_slice %arg4[%add3A_205] : memref<16528xf32, #tpu.memory_space<vmem>> -> memref<128xf32, #tpu.memory_space<vmem>>
          %dma_start3A_209 = tpu.memref_slice %arg2[%add3A_201] : memref<16777216xf32, #tpu.memory_space<hbm>> -> memref<128xf32, #tpu.memory_space<hbm>>
          tpu.enqueue_dma source(%dma_start3A_209 : memref<128xf32, #tpu.memory_space<hbm>>) target(%dma_start3A_208 : memref<128xf32, #tpu.memory_space<vmem>>) target_semaphore(%arg8 : memref<!tpu.dma_semaphore, #tpu.memory_space<semaphore_mem>>)
          %scan3A_210 = arith.constant 2 : i32
          %scan3A_211 = arith.addi %scan3A_185, %scan3A_210 : i32
          %mul3A_212 = arith.constant 1024 : i32
          %mul3A_213 = arith.muli %scan3A_211, %mul3A_212 : i32
          %add3A_214 = arith.addi %add3A_159, %mul3A_213 : i32
          %mul3A_215 = arith.constant 128 : i32
          %mul3A_216 = arith.muli %scan3A_211, %mul3A_215 : i32
          %add3A_217 = arith.constant 128 : i32
          %add3A_218 = arith.addi %add3A_217, %mul3A_216 : i32
          %dma_start3A_219 = tpu.memref_slice %arg4[%add3A_218] : memref<16528xf32, #tpu.memory_space<vmem>> -> memref<128xf32, #tpu.memory_space<vmem>>
          %dma_start3A_220 = tpu.memref_slice %arg2[%add3A_214] : memref<16777216xf32, #tpu.memory_space<hbm>> -> memref<128xf32, #tpu.memory_space<hbm>>
          %dma_start3A_221 = tpu.memref_slice %arg4[%add3A_218] : memref<16528xf32, #tpu.memory_space<vmem>> -> memref<128xf32, #tpu.memory_space<vmem>>
          %dma_start3A_222 = tpu.memref_slice %arg2[%add3A_214] : memref<16777216xf32, #tpu.memory_space<hbm>> -> memref<128xf32, #tpu.memory_space<hbm>>
          tpu.enqueue_dma source(%dma_start3A_222 : memref<128xf32, #tpu.memory_space<hbm>>) target(%dma_start3A_221 : memref<128xf32, #tpu.memory_space<vmem>>) target_semaphore(%arg8 : memref<!tpu.dma_semaphore, #tpu.memory_space<semaphore_mem>>)
          %scan3A_223 = arith.constant 3 : i32
          %scan3A_224 = arith.addi %scan3A_185, %scan3A_223 : i32
          %mul3A_225 = arith.constant 1024 : i32
          %mul3A_226 = arith.muli %scan3A_224, %mul3A_225 : i32
          %add3A_227 = arith.addi %add3A_159, %mul3A_226 : i32
          %mul3A_228 = arith.constant 128 : i32
          %mul3A_229 = arith.muli %scan3A_224, %mul3A_228 : i32
          %add3A_230 = arith.constant 128 : i32
          %add3A_231 = arith.addi %add3A_230, %mul3A_229 : i32
          %dma_start3A_232 = tpu.memref_slice %arg4[%add3A_231] : memref<16528xf32, #tpu.memory_space<vmem>> -> memref<128xf32, #tpu.memory_space<vmem>>
          %dma_start3A_233 = tpu.memref_slice %arg2[%add3A_227] : memref<16777216xf32, #tpu.memory_space<hbm>> -> memref<128xf32, #tpu.memory_space<hbm>>
          %dma_start3A_234 = tpu.memref_slice %arg4[%add3A_231] : memref<16528xf32, #tpu.memory_space<vmem>> -> memref<128xf32, #tpu.memory_space<vmem>>
          %dma_start3A_235 = tpu.memref_slice %arg2[%add3A_227] : memref<16777216xf32, #tpu.memory_space<hbm>> -> memref<128xf32, #tpu.memory_space<hbm>>
          tpu.enqueue_dma source(%dma_start3A_235 : memref<128xf32, #tpu.memory_space<hbm>>) target(%dma_start3A_234 : memref<128xf32, #tpu.memory_space<vmem>>) target_semaphore(%arg8 : memref<!tpu.dma_semaphore, #tpu.memory_space<semaphore_mem>>)
          %scan3A_236 = arith.constant 4 : i32
          %scan3A_237 = arith.addi %scan3A_185, %scan3A_236 : i32
          %mul3A_238 = arith.constant 1024 : i32
          %mul3A_239 = arith.muli %scan3A_237, %mul3A_238 : i32
          %add3A_240 = arith.addi %add3A_159, %mul3A_239 : i32
          %mul3A_241 = arith.constant 128 : i32
          %mul3A_242 = arith.muli %scan3A_237, %mul3A_241 : i32
          %add3A_243 = arith.constant 128 : i32
          %add3A_244 = arith.addi %add3A_243, %mul3A_242 : i32
          %dma_start3A_245 = tpu.memref_slice %arg4[%add3A_244] : memref<16528xf32, #tpu.memory_space<vmem>> -> memref<128xf32, #tpu.memory_space<vmem>>
          %dma_start3A_246 = tpu.memref_slice %arg2[%add3A_240] : memref<16777216xf32, #tpu.memory_space<hbm>> -> memref<128xf32, #tpu.memory_space<hbm>>
          %dma_start3A_247 = tpu.memref_slice %arg4[%add3A_244] : memref<16528xf32, #tpu.memory_space<vmem>> -> memref<128xf32, #tpu.memory_space<vmem>>
          %dma_start3A_248 = tpu.memref_slice %arg2[%add3A_240] : memref<16777216xf32, #tpu.memory_space<hbm>> -> memref<128xf32, #tpu.memory_space<hbm>>
          tpu.enqueue_dma source(%dma_start3A_248 : memref<128xf32, #tpu.memory_space<hbm>>) target(%dma_start3A_247 : memref<128xf32, #tpu.memory_space<vmem>>) target_semaphore(%arg8 : memref<!tpu.dma_semaphore, #tpu.memory_space<semaphore_mem>>)
          %scan3A_249 = arith.constant 5 : i32
          %scan3A_250 = arith.addi %scan3A_185, %scan3A_249 : i32
          %mul3A_251 = arith.constant 1024 : i32
          %mul3A_252 = arith.muli %scan3A_250, %mul3A_251 : i32
          %add3A_253 = arith.addi %add3A_159, %mul3A_252 : i32
          %mul3A_254 = arith.constant 128 : i32
          %mul3A_255 = arith.muli %scan3A_250, %mul3A_254 : i32
          %add3A_256 = arith.constant 128 : i32
          %add3A_257 = arith.addi %add3A_256, %mul3A_255 : i32
          %dma_start3A_258 = tpu.memref_slice %arg4[%add3A_257] : memref<16528xf32, #tpu.memory_space<vmem>> -> memref<128xf32, #tpu.memory_space<vmem>>
          %dma_start3A_259 = tpu.memref_slice %arg2[%add3A_253] : memref<16777216xf32, #tpu.memory_space<hbm>> -> memref<128xf32, #tpu.memory_space<hbm>>
          %dma_start3A_260 = tpu.memref_slice %arg4[%add3A_257] : memref<16528xf32, #tpu.memory_space<vmem>> -> memref<128xf32, #tpu.memory_space<vmem>>
          %dma_start3A_261 = tpu.memref_slice %arg2[%add3A_253] : memref<16777216xf32, #tpu.memory_space<hbm>> -> memref<128xf32, #tpu.memory_space<hbm>>
          tpu.enqueue_dma source(%dma_start3A_261 : memref<128xf32, #tpu.memory_space<hbm>>) target(%dma_start3A_260 : memref<128xf32, #tpu.memory_space<vmem>>) target_semaphore(%arg8 : memref<!tpu.dma_semaphore, #tpu.memory_space<semaphore_mem>>)
          %scan3A_262 = arith.constant 6 : i32
          %scan3A_263 = arith.addi %scan3A_185, %scan3A_262 : i32
          %mul3A_264 = arith.constant 1024 : i32
          %mul3A_265 = arith.muli %scan3A_263, %mul3A_264 : i32
          %add3A_266 = arith.addi %add3A_159, %mul3A_265 : i32
          %mul3A_267 = arith.constant 128 : i32
          %mul3A_268 = arith.muli %scan3A_263, %mul3A_267 : i32
          %add3A_269 = arith.constant 128 : i32
          %add3A_270 = arith.addi %add3A_269, %mul3A_268 : i32
          %dma_start3A_271 = tpu.memref_slice %arg4[%add3A_270] : memref<16528xf32, #tpu.memory_space<vmem>> -> memref<128xf32, #tpu.memory_space<vmem>>
          %dma_start3A_272 = tpu.memref_slice %arg2[%add3A_266] : memref<16777216xf32, #tpu.memory_space<hbm>> -> memref<128xf32, #tpu.memory_space<hbm>>
          %dma_start3A_273 = tpu.memref_slice %arg4[%add3A_270] : memref<16528xf32, #tpu.memory_space<vmem>> -> memref<128xf32, #tpu.memory_space<vmem>>
          %dma_start3A_274 = tpu.memref_slice %arg2[%add3A_266] : memref<16777216xf32, #tpu.memory_space<hbm>> -> memref<128xf32, #tpu.memory_space<hbm>>
          tpu.enqueue_dma source(%dma_start3A_274 : memref<128xf32, #tpu.memory_space<hbm>>) target(%dma_start3A_273 : memref<128xf32, #tpu.memory_space<vmem>>) target_semaphore(%arg8 : memref<!tpu.dma_semaphore, #tpu.memory_space<semaphore_mem>>)
          %scan3A_275 = arith.constant 7 : i32
          %scan3A_276 = arith.addi %scan3A_185, %scan3A_275 : i32
          %mul3A_277 = arith.constant 1024 : i32
          %mul3A_278 = arith.muli %scan3A_276, %mul3A_277 : i32
          %add3A_279 = arith.addi %add3A_159, %mul3A_278 : i32
          %mul3A_280 = arith.constant 128 : i32
          %mul3A_281 = arith.muli %scan3A_276, %mul3A_280 : i32
          %add3A_282 = arith.constant 128 : i32
          %add3A_283 = arith.addi %add3A_282, %mul3A_281 : i32
          %dma_start3A_284 = tpu.memref_slice %arg4[%add3A_283] : memref<16528xf32, #tpu.memory_space<vmem>> -> memref<128xf32, #tpu.memory_space<vmem>>
          %dma_start3A_285 = tpu.memref_slice %arg2[%add3A_279] : memref<16777216xf32, #tpu.memory_space<hbm>> -> memref<128xf32, #tpu.memory_space<hbm>>
          %dma_start3A_286 = tpu.memref_slice %arg4[%add3A_283] : memref<16528xf32, #tpu.memory_space<vmem>> -> memref<128xf32, #tpu.memory_space<vmem>>
          %dma_start3A_287 = tpu.memref_slice %arg2[%add3A_279] : memref<16777216xf32, #tpu.memory_space<hbm>> -> memref<128xf32, #tpu.memory_space<hbm>>
          tpu.enqueue_dma source(%dma_start3A_287 : memref<128xf32, #tpu.memory_space<hbm>>) target(%dma_start3A_286 : memref<128xf32, #tpu.memory_space<vmem>>) target_semaphore(%arg8 : memref<!tpu.dma_semaphore, #tpu.memory_space<semaphore_mem>>)
        }
        %scan3A_165 = arith.constant 128 : i32
        %add3A_166 = arith.constant 2 : i32
        %add3A_167 = arith.addi %add3A_81, %add3A_166 : i32
        %add3A_168 = arith.constant 1 : i32
        %add3A_169 = arith.addi %add3A_167, %add3A_168 : i32
        %shift_right_arithmetic3A_170 = arith.constant 3 : i32
        %shift_right_arithmetic3A_171 = arith.shrsi %add3A_169, %shift_right_arithmetic3A_170 : i32
        %mul3A_172 = arith.constant 131072 : i32
        %mul3A_173 = arith.muli %shift_right_arithmetic3A_171, %mul3A_172 : i32
        %and3A_174 = arith.constant 7 : i32
        %and3A_175 = arith.andi %add3A_169, %and3A_174 : i32
        %mul3A_176 = arith.constant 128 : i32
        %mul3A_177 = arith.muli %and3A_175, %mul3A_176 : i32
        %add3A_178 = arith.addi %mul3A_173, %mul3A_177 : i32
        %scan3A_179 = arith.constant 0 : i32
        %scan3A_180 = arith.constant 0 : i32
        %scan3A_181 = arith.constant 128 : i32
        %scan3A_182 = arith.addi %scan3A_180, %scan3A_181 : i32
        %scan3A_183 = arith.constant 8 : i32
        scf.for %scan3A_185 = %scan3A_180 to %scan3A_182 step %scan3A_183  : i32 {
          %mul3A_186 = arith.constant 1024 : i32
          %mul3A_187 = arith.muli %scan3A_185, %mul3A_186 : i32
          %add3A_188 = arith.addi %add3A_178, %mul3A_187 : i32
          %mul3A_189 = arith.constant 128 : i32
          %mul3A_190 = arith.muli %scan3A_185, %mul3A_189 : i32
          %add3A_191 = arith.constant 128 : i32
          %add3A_192 = arith.addi %add3A_191, %mul3A_190 : i32
          %dma_start3A_193 = tpu.memref_slice %arg5[%add3A_192] : memref<16528xf32, #tpu.memory_space<vmem>> -> memref<128xf32, #tpu.memory_space<vmem>>
          %dma_start3A_194 = tpu.memref_slice %arg2[%add3A_188] : memref<16777216xf32, #tpu.memory_space<hbm>> -> memref<128xf32, #tpu.memory_space<hbm>>
          %dma_start3A_195 = tpu.memref_slice %arg5[%add3A_192] : memref<16528xf32, #tpu.memory_space<vmem>> -> memref<128xf32, #tpu.memory_space<vmem>>
          %dma_start3A_196 = tpu.memref_slice %arg2[%add3A_188] : memref<16777216xf32, #tpu.memory_space<hbm>> -> memref<128xf32, #tpu.memory_space<hbm>>
          tpu.enqueue_dma source(%dma_start3A_196 : memref<128xf32, #tpu.memory_space<hbm>>) target(%dma_start3A_195 : memref<128xf32, #tpu.memory_space<vmem>>) target_semaphore(%arg9 : memref<!tpu.dma_semaphore, #tpu.memory_space<semaphore_mem>>)
          %scan3A_197 = arith.constant 1 : i32
          %scan3A_198 = arith.addi %scan3A_185, %scan3A_197 : i32
          %mul3A_199 = arith.constant 1024 : i32
          %mul3A_200 = arith.muli %scan3A_198, %mul3A_199 : i32
          %add3A_201 = arith.addi %add3A_178, %mul3A_200 : i32
          %mul3A_202 = arith.constant 128 : i32
          %mul3A_203 = arith.muli %scan3A_198, %mul3A_202 : i32
          %add3A_204 = arith.constant 128 : i32
          %add3A_205 = arith.addi %add3A_204, %mul3A_203 : i32
          %dma_start3A_206 = tpu.memref_slice %arg5[%add3A_205] : memref<16528xf32, #tpu.memory_space<vmem>> -> memref<128xf32, #tpu.memory_space<vmem>>
          %dma_start3A_207 = tpu.memref_slice %arg2[%add3A_201] : memref<16777216xf32, #tpu.memory_space<hbm>> -> memref<128xf32, #tpu.memory_space<hbm>>
          %dma_start3A_208 = tpu.memref_slice %arg5[%add3A_205] : memref<16528xf32, #tpu.memory_space<vmem>> -> memref<128xf32, #tpu.memory_space<vmem>>
          %dma_start3A_209 = tpu.memref_slice %arg2[%add3A_201] : memref<16777216xf32, #tpu.memory_space<hbm>> -> memref<128xf32, #tpu.memory_space<hbm>>
          tpu.enqueue_dma source(%dma_start3A_209 : memref<128xf32, #tpu.memory_space<hbm>>) target(%dma_start3A_208 : memref<128xf32, #tpu.memory_space<vmem>>) target_semaphore(%arg9 : memref<!tpu.dma_semaphore, #tpu.memory_space<semaphore_mem>>)
          %scan3A_210 = arith.constant 2 : i32
          %scan3A_211 = arith.addi %scan3A_185, %scan3A_210 : i32
          %mul3A_212 = arith.constant 1024 : i32
          %mul3A_213 = arith.muli %scan3A_211, %mul3A_212 : i32
          %add3A_214 = arith.addi %add3A_178, %mul3A_213 : i32
          %mul3A_215 = arith.constant 128 : i32
          %mul3A_216 = arith.muli %scan3A_211, %mul3A_215 : i32
          %add3A_217 = arith.constant 128 : i32
          %add3A_218 = arith.addi %add3A_217, %mul3A_216 : i32
          %dma_start3A_219 = tpu.memref_slice %arg5[%add3A_218] : memref<16528xf32, #tpu.memory_space<vmem>> -> memref<128xf32, #tpu.memory_space<vmem>>
          %dma_start3A_220 = tpu.memref_slice %arg2[%add3A_214] : memref<16777216xf32, #tpu.memory_space<hbm>> -> memref<128xf32, #tpu.memory_space<hbm>>
          %dma_start3A_221 = tpu.memref_slice %arg5[%add3A_218] : memref<16528xf32, #tpu.memory_space<vmem>> -> memref<128xf32, #tpu.memory_space<vmem>>
          %dma_start3A_222 = tpu.memref_slice %arg2[%add3A_214] : memref<16777216xf32, #tpu.memory_space<hbm>> -> memref<128xf32, #tpu.memory_space<hbm>>
          tpu.enqueue_dma source(%dma_start3A_222 : memref<128xf32, #tpu.memory_space<hbm>>) target(%dma_start3A_221 : memref<128xf32, #tpu.memory_space<vmem>>) target_semaphore(%arg9 : memref<!tpu.dma_semaphore, #tpu.memory_space<semaphore_mem>>)
          %scan3A_223 = arith.constant 3 : i32
          %scan3A_224 = arith.addi %scan3A_185, %scan3A_223 : i32
          %mul3A_225 = arith.constant 1024 : i32
          %mul3A_226 = arith.muli %scan3A_224, %mul3A_225 : i32
          %add3A_227 = arith.addi %add3A_178, %mul3A_226 : i32
          %mul3A_228 = arith.constant 128 : i32
          %mul3A_229 = arith.muli %scan3A_224, %mul3A_228 : i32
          %add3A_230 = arith.constant 128 : i32
          %add3A_231 = arith.addi %add3A_230, %mul3A_229 : i32
          %dma_start3A_232 = tpu.memref_slice %arg5[%add3A_231] : memref<16528xf32, #tpu.memory_space<vmem>> -> memref<128xf32, #tpu.memory_space<vmem>>
          %dma_start3A_233 = tpu.memref_slice %arg2[%add3A_227] : memref<16777216xf32, #tpu.memory_space<hbm>> -> memref<128xf32, #tpu.memory_space<hbm>>
          %dma_start3A_234 = tpu.memref_slice %arg5[%add3A_231] : memref<16528xf32, #tpu.memory_space<vmem>> -> memref<128xf32, #tpu.memory_space<vmem>>
          %dma_start3A_235 = tpu.memref_slice %arg2[%add3A_227] : memref<16777216xf32, #tpu.memory_space<hbm>> -> memref<128xf32, #tpu.memory_space<hbm>>
          tpu.enqueue_dma source(%dma_start3A_235 : memref<128xf32, #tpu.memory_space<hbm>>) target(%dma_start3A_234 : memref<128xf32, #tpu.memory_space<vmem>>) target_semaphore(%arg9 : memref<!tpu.dma_semaphore, #tpu.memory_space<semaphore_mem>>)
          %scan3A_236 = arith.constant 4 : i32
          %scan3A_237 = arith.addi %scan3A_185, %scan3A_236 : i32
          %mul3A_238 = arith.constant 1024 : i32
          %mul3A_239 = arith.muli %scan3A_237, %mul3A_238 : i32
          %add3A_240 = arith.addi %add3A_178, %mul3A_239 : i32
          %mul3A_241 = arith.constant 128 : i32
          %mul3A_242 = arith.muli %scan3A_237, %mul3A_241 : i32
          %add3A_243 = arith.constant 128 : i32
          %add3A_244 = arith.addi %add3A_243, %mul3A_242 : i32
          %dma_start3A_245 = tpu.memref_slice %arg5[%add3A_244] : memref<16528xf32, #tpu.memory_space<vmem>> -> memref<128xf32, #tpu.memory_space<vmem>>
          %dma_start3A_246 = tpu.memref_slice %arg2[%add3A_240] : memref<16777216xf32, #tpu.memory_space<hbm>> -> memref<128xf32, #tpu.memory_space<hbm>>
          %dma_start3A_247 = tpu.memref_slice %arg5[%add3A_244] : memref<16528xf32, #tpu.memory_space<vmem>> -> memref<128xf32, #tpu.memory_space<vmem>>
          %dma_start3A_248 = tpu.memref_slice %arg2[%add3A_240] : memref<16777216xf32, #tpu.memory_space<hbm>> -> memref<128xf32, #tpu.memory_space<hbm>>
          tpu.enqueue_dma source(%dma_start3A_248 : memref<128xf32, #tpu.memory_space<hbm>>) target(%dma_start3A_247 : memref<128xf32, #tpu.memory_space<vmem>>) target_semaphore(%arg9 : memref<!tpu.dma_semaphore, #tpu.memory_space<semaphore_mem>>)
          %scan3A_249 = arith.constant 5 : i32
          %scan3A_250 = arith.addi %scan3A_185, %scan3A_249 : i32
          %mul3A_251 = arith.constant 1024 : i32
          %mul3A_252 = arith.muli %scan3A_250, %mul3A_251 : i32
          %add3A_253 = arith.addi %add3A_178, %mul3A_252 : i32
          %mul3A_254 = arith.constant 128 : i32
          %mul3A_255 = arith.muli %scan3A_250, %mul3A_254 : i32
          %add3A_256 = arith.constant 128 : i32
          %add3A_257 = arith.addi %add3A_256, %mul3A_255 : i32
          %dma_start3A_258 = tpu.memref_slice %arg5[%add3A_257] : memref<16528xf32, #tpu.memory_space<vmem>> -> memref<128xf32, #tpu.memory_space<vmem>>
          %dma_start3A_259 = tpu.memref_slice %arg2[%add3A_253] : memref<16777216xf32, #tpu.memory_space<hbm>> -> memref<128xf32, #tpu.memory_space<hbm>>
          %dma_start3A_260 = tpu.memref_slice %arg5[%add3A_257] : memref<16528xf32, #tpu.memory_space<vmem>> -> memref<128xf32, #tpu.memory_space<vmem>>
          %dma_start3A_261 = tpu.memref_slice %arg2[%add3A_253] : memref<16777216xf32, #tpu.memory_space<hbm>> -> memref<128xf32, #tpu.memory_space<hbm>>
          tpu.enqueue_dma source(%dma_start3A_261 : memref<128xf32, #tpu.memory_space<hbm>>) target(%dma_start3A_260 : memref<128xf32, #tpu.memory_space<vmem>>) target_semaphore(%arg9 : memref<!tpu.dma_semaphore, #tpu.memory_space<semaphore_mem>>)
          %scan3A_262 = arith.constant 6 : i32
          %scan3A_263 = arith.addi %scan3A_185, %scan3A_262 : i32
          %mul3A_264 = arith.constant 1024 : i32
          %mul3A_265 = arith.muli %scan3A_263, %mul3A_264 : i32
          %add3A_266 = arith.addi %add3A_178, %mul3A_265 : i32
          %mul3A_267 = arith.constant 128 : i32
          %mul3A_268 = arith.muli %scan3A_263, %mul3A_267 : i32
          %add3A_269 = arith.constant 128 : i32
          %add3A_270 = arith.addi %add3A_269, %mul3A_268 : i32
          %dma_start3A_271 = tpu.memref_slice %arg5[%add3A_270] : memref<16528xf32, #tpu.memory_space<vmem>> -> memref<128xf32, #tpu.memory_space<vmem>>
          %dma_start3A_272 = tpu.memref_slice %arg2[%add3A_266] : memref<16777216xf32, #tpu.memory_space<hbm>> -> memref<128xf32, #tpu.memory_space<hbm>>
          %dma_start3A_273 = tpu.memref_slice %arg5[%add3A_270] : memref<16528xf32, #tpu.memory_space<vmem>> -> memref<128xf32, #tpu.memory_space<vmem>>
          %dma_start3A_274 = tpu.memref_slice %arg2[%add3A_266] : memref<16777216xf32, #tpu.memory_space<hbm>> -> memref<128xf32, #tpu.memory_space<hbm>>
          tpu.enqueue_dma source(%dma_start3A_274 : memref<128xf32, #tpu.memory_space<hbm>>) target(%dma_start3A_273 : memref<128xf32, #tpu.memory_space<vmem>>) target_semaphore(%arg9 : memref<!tpu.dma_semaphore, #tpu.memory_space<semaphore_mem>>)
          %scan3A_275 = arith.constant 7 : i32
          %scan3A_276 = arith.addi %scan3A_185, %scan3A_275 : i32
          %mul3A_277 = arith.constant 1024 : i32
          %mul3A_278 = arith.muli %scan3A_276, %mul3A_277 : i32
          %add3A_279 = arith.addi %add3A_178, %mul3A_278 : i32
          %mul3A_280 = arith.constant 128 : i32
          %mul3A_281 = arith.muli %scan3A_276, %mul3A_280 : i32
          %add3A_282 = arith.constant 128 : i32
          %add3A_283 = arith.addi %add3A_282, %mul3A_281 : i32
          %dma_start3A_284 = tpu.memref_slice %arg5[%add3A_283] : memref<16528xf32, #tpu.memory_space<vmem>> -> memref<128xf32, #tpu.memory_space<vmem>>
          %dma_start3A_285 = tpu.memref_slice %arg2[%add3A_279] : memref<16777216xf32, #tpu.memory_space<hbm>> -> memref<128xf32, #tpu.memory_space<hbm>>
          %dma_start3A_286 = tpu.memref_slice %arg5[%add3A_283] : memref<16528xf32, #tpu.memory_space<vmem>> -> memref<128xf32, #tpu.memory_space<vmem>>
          %dma_start3A_287 = tpu.memref_slice %arg2[%add3A_279] : memref<16777216xf32, #tpu.memory_space<hbm>> -> memref<128xf32, #tpu.memory_space<hbm>>
          tpu.enqueue_dma source(%dma_start3A_287 : memref<128xf32, #tpu.memory_space<hbm>>) target(%dma_start3A_286 : memref<128xf32, #tpu.memory_space<vmem>>) target_semaphore(%arg9 : memref<!tpu.dma_semaphore, #tpu.memory_space<semaphore_mem>>)
        }
        %scan3A_184 = arith.constant 128 : i32
      } else {
      }
    }
    %scan3A_39 = arith.constant 16 : i32
    %add3A_40 = arith.constant 32 : i32
    %add3A_41 = arith.addi %mul3A_2, %add3A_40 : i32
    %sub3A = arith.constant 2 : i32
    %sub3A_42 = arith.subi %add3A_41, %sub3A : i32
    %add3A_43 = arith.constant 0 : i32
    %add3A_44 = arith.addi %sub3A_42, %add3A_43 : i32
    %dma_wait3A = arith.constant 0 : i32
    %dma_wait3A_45 = arith.constant 0 : i32
    %dma_wait3A_46 = tpu.memref_slice %arg6[%dma_wait3A, %dma_wait3A_45] : memref<129x255xf32, #tpu.memory_space<vmem>> -> memref<128x255xf32, #tpu.memory_space<vmem>>
    %dma_wait3A_47 = arith.constant 0 : i32
    %dma_wait3A_48 = arith.constant 0 : i32
    %dma_wait3A_49 = tpu.memref_slice %arg3[%add3A_44, %dma_wait3A_47, %dma_wait3A_48] : memref<1024x128x255xf32, #tpu.memory_space<hbm>> -> memref<1x128x255xf32, #tpu.memory_space<hbm>>
    %dma_wait3A_50 = tpu.memref_squeeze %dma_wait3A_49 : memref<1x128x255xf32, #tpu.memory_space<hbm>> -> memref<128x255xf32, #tpu.memory_space<hbm>>
    %dma_wait3A_51 = arith.constant 0 : i32
    %dma_wait3A_52 = arith.constant 0 : i32
    %dma_wait3A_53 = tpu.memref_slice %arg3[%add3A_44, %dma_wait3A_51, %dma_wait3A_52] : memref<1024x128x255xf32, #tpu.memory_space<hbm>> -> memref<1x128x255xf32, #tpu.memory_space<hbm>>
    %dma_wait3A_54 = tpu.memref_squeeze %dma_wait3A_53 : memref<1x128x255xf32, #tpu.memory_space<hbm>> -> memref<128x255xf32, #tpu.memory_space<hbm>>
    %dma_wait3A_55 = arith.constant 0 : i32
    %dma_wait3A_56 = arith.constant 0 : i32
    %dma_wait3A_57 = tpu.memref_slice %arg6[%dma_wait3A_55, %dma_wait3A_56] : memref<129x255xf32, #tpu.memory_space<vmem>> -> memref<128x255xf32, #tpu.memory_space<vmem>>
    tpu.wait_dma2 semaphore(%arg10 : memref<!tpu.dma_semaphore, #tpu.memory_space<semaphore_mem>>) src(%dma_wait3A_57 : memref<128x255xf32, #tpu.memory_space<vmem>>) dst(%dma_wait3A_54 : memref<128x255xf32, #tpu.memory_space<hbm>>)
    %add3A_58 = arith.constant 32 : i32
    %add3A_59 = arith.addi %mul3A_2, %add3A_58 : i32
    %sub3A_60 = arith.constant 2 : i32
    %sub3A_61 = arith.subi %add3A_59, %sub3A_60 : i32
    %add3A_62 = arith.constant 1 : i32
    %add3A_63 = arith.addi %sub3A_61, %add3A_62 : i32
    %dma_wait3A_64 = arith.constant 0 : i32
    %dma_wait3A_65 = arith.constant 0 : i32
    %dma_wait3A_66 = tpu.memref_slice %arg7[%dma_wait3A_64, %dma_wait3A_65] : memref<129x255xf32, #tpu.memory_space<vmem>> -> memref<128x255xf32, #tpu.memory_space<vmem>>
    %dma_wait3A_67 = arith.constant 0 : i32
    %dma_wait3A_68 = arith.constant 0 : i32
    %dma_wait3A_69 = tpu.memref_slice %arg3[%add3A_63, %dma_wait3A_67, %dma_wait3A_68] : memref<1024x128x255xf32, #tpu.memory_space<hbm>> -> memref<1x128x255xf32, #tpu.memory_space<hbm>>
    %dma_wait3A_70 = tpu.memref_squeeze %dma_wait3A_69 : memref<1x128x255xf32, #tpu.memory_space<hbm>> -> memref<128x255xf32, #tpu.memory_space<hbm>>
    %dma_wait3A_71 = arith.constant 0 : i32
    %dma_wait3A_72 = arith.constant 0 : i32
    %dma_wait3A_73 = tpu.memref_slice %arg3[%add3A_63, %dma_wait3A_71, %dma_wait3A_72] : memref<1024x128x255xf32, #tpu.memory_space<hbm>> -> memref<1x128x255xf32, #tpu.memory_space<hbm>>
    %dma_wait3A_74 = tpu.memref_squeeze %dma_wait3A_73 : memref<1x128x255xf32, #tpu.memory_space<hbm>> -> memref<128x255xf32, #tpu.memory_space<hbm>>
    %dma_wait3A_75 = arith.constant 0 : i32
    %dma_wait3A_76 = arith.constant 0 : i32
    %dma_wait3A_77 = tpu.memref_slice %arg7[%dma_wait3A_75, %dma_wait3A_76] : memref<129x255xf32, #tpu.memory_space<vmem>> -> memref<128x255xf32, #tpu.memory_space<vmem>>
    tpu.wait_dma2 semaphore(%arg11 : memref<!tpu.dma_semaphore, #tpu.memory_space<semaphore_mem>>) src(%dma_wait3A_77 : memref<128x255xf32, #tpu.memory_space<vmem>>) dst(%dma_wait3A_74 : memref<128x255xf32, #tpu.memory_space<hbm>>)
    return
  }
}

</mosaic_0001>

<sc_bundles>
// kernel: kernel.3.cloned.1.call-start
scs
__scs_entry_jumppad:
0x0: {  	(pc) =	sbr.rel $0x88, $3  }
0x1: {  	(tag) =	ssettag $0x0;
	lr =	simm.s32 $0x1  }
0x2: {  	[smem:$0x3FA0] =	sst lr;
	_ =	strace $0xD0000000  }
0x3: {  	_ = 	snop  }
0x4: {  	_ = 	snop  }
0x5: {  	_ = 	snop  }
0x6: {  	_ = 	snop  }
0x7: {  	_ = 	snop  }
__scs_overlays_trampoline_lowered:
0x8: {  	[smem:$0x3FAF] =	sst s0  }
0x9: {  	[smem:$0x3FB0] =	sst s1  }
0xa: {  	[smem:$0x3FB1] =	sst s2  }
0xb: {  	[smem:$0x3FB2] =	sst s3  }
0xc: {  	[smem:$0x3FB3] =	sst s4  }
0xd: {  	[smem:$0x3FB4] =	sst s5  }
0xe: {  	[smem:$0x3FB5] =	sst s6  }
0xf: {  	[smem:$0x3FB6] =	sst s7  }
0x10: {  	[smem:$0x3FB7] =	sst s8  }
0x11: {  	[smem:$0x3FB8] =	sst s9;
	s0 =	simm.s32 @!p0 $0x0  }
0x12: {  	s1 =	sld [smem:$0x3F9E];
	s0 =	simm.s32 @p0 $0x1  }
0x13: {  	[smem:$0x3FB9] =	sst s0;
	s0 =	simm.s32 @!p1 $0x0  }
0x14: {  	s2 =	sld [smem:$0x3F9D];
	s0 =	simm.s32 @p1 $0x1  }
0x15: {  	[smem:$0x3FBA] =	sst s0;
	s0 =	simm.s32 @!p2 $0x0  }
0x16: {  	s3 =	sld [smem:$0x3FDB];
	s0 =	simm.s32 @p2 $0x1  }
0x17: {  	s4 =	simm.s32 $0x1BF5;
	[smem:$0x3FBC] =	sst s0  }
0x18: {  	s0 =	sld [smem:$0x3F9F];
	_ =	swait.ge [sflag:s4], $0x0  }
0x19: {  	s7 =	sld [smem:$0x3FA0]  }
0x1a: {  	s8 =	sadd.s32 $0xFFFFE003, lr  }
0x1b: {  	s9 =	sadd.s32 $0xFFFFFEF7, lr;
	s5 =	simm.s32 $0xFFFFFFFF;
	p2 =	slt.u32 s8, $0xFFFFF086  }
0x1c: {  	p1 =	slt.u32 s9, $0xF7A;
	s5 =	simm.s32 @!p2 $0x0  }
0x1d: {  	s5 =	simm.s32 @p1 $0x1;
	p0 =	seq.s32 s7, s2  }
0x1e: {  	s7 =	smul.u32 @!p0 $0xF7A, s2;
	p2 =	seq.s32 @!p0 s5, $0x0  }
0x1f: {  	s9 =	smul.u32 $0xF7A, s1;
	s8 =	simm.s32 @!p0 $0x1BF5;
	p2 =	por !p2, p0  }
0x20: {  	[sflag:s8] =	ssyncset.s32 @!p0 $0xFFFFF086;
	s6 =	sadd.s32 @!p0 s3, s7;
	s7 =	simm.s32 @!p0 $0x108  }
0x21: {  	s3 =	sadd.s32 s3, s9;
	s6 =	sadd.s32 @!p0 $0x88, s6;
	s7 =	simm.s32 @p2 $0x1082  }
0x22: {  	[simem:s7], [sflag:s8] =	dma.local @!p0 [hbm:s6], $0xF7A  }
0x23: {  	s9 =	sor.u32 $0xD0000000, s2;
	s6 =	simm.s32 $0x108;
	_ =	swait.ge @!p0 [sflag:s8], $0x0  }
0x24: {  	s3 =	sadd.s32 $0x88, s3;
	s6 =	simm.s32 @!p1 $0x1082;
	[sflag:s4] =	ssyncset.s32 $0xFFFFF086  }
0x25: {  	[simem:s6], [sflag:s4] =	dma.local [hbm:s3], $0xF7A  }
0x26: {  	[smem:$0x3FA0] =	sst s1;
	(tag) =	ssettag s2;
	_ =	strace s9  }
0x27: {  	s1 =	sld [smem:$0x3FB0]  }
0x28: {  	s2 =	sld [smem:$0x3FB1]  }
0x29: {  	s4 =	sld [smem:$0x3FB3]  }
0x2a: {  	p0 =	seq.s32 s5, $0x0;
	s5 =	sld [smem:$0x3FB4]  }
0x2b: {  	s6 =	sld [smem:$0x3FB5]  }
0x2c: {  	s7 =	sld [smem:$0x3FB6]  }
0x2d: {  	s3 =	simm.s32 $0x108;
	s8 =	sld [smem:$0x3FB7]  }
0x2e: {  	s3 =	simm.s32 @!p0 $0x1082;
	s9 =	sld [smem:$0x3FB8]  }
0x2f: {  	lr =	sadd.s32 s0, s3;
	s0 =	sld [smem:$0x3FAF]  }
0x30: {  	s3 =	sld [smem:$0x3FB2]  }
0x31: {  	[smem:$0x3FBB] =	sst s10  }
0x32: {  	s10 =	sld [smem:$0x3FB9];
	_ =	sdelay $0x3  }
0x33: {  	p0 =	seq.s32 s10, $0x1;
	s10 =	sld [smem:$0x3FBB];
	_ =	sdelay $0x3  }
0x34: {  	[smem:$0x3FBB] =	sst s10  }
0x35: {  	s10 =	sld [smem:$0x3FBA];
	_ =	sdelay $0x3  }
0x36: {  	p1 =	seq.s32 s10, $0x1;
	s10 =	sld [smem:$0x3FBB];
	_ =	sdelay $0x3  }
0x37: {  	[smem:$0x3FBB] =	sst s10  }
0x38: {  	s10 =	sld [smem:$0x3FBC]  }
0x39: {  	_ = 	snop;
	(pc) =	sbr.ind lr, $3  }
0x3a: {  	_ = 	snop  }
0x3b: {  	_ = 	snop  }
0x3c: {  	p2 =	seq.s32 s10, $0x1;
	s10 =	sld [smem:$0x3FBB]  }
0x3d: {  	_ =	shalt  }
0x3e: {  	_ =	shalt  }
0x3f: {  	_ =	shalt  }
0x40: {  	_ =	shalt  }
0x41: {  	_ =	shalt  }
0x42: {  	_ =	shalt  }
0x43: {  	_ =	shalt  }
0x44: {  	_ =	shalt  }
0x45: {  	_ =	shalt  }
0x46: {  	_ =	shalt  }
0x47: {  	_ =	shalt  }
0x48: {  	_ =	shalt  }
0x49: {  	_ =	shalt  }
0x4a: {  	_ =	shalt  }
0x4b: {  	_ =	shalt  }
0x4c: {  	_ =	shalt  }
0x4d: {  	_ =	shalt  }
0x4e: {  	_ =	shalt  }
0x4f: {  	_ =	shalt  }
0x50: {  	_ =	shalt  }
0x51: {  	_ =	shalt  }
0x52: {  	_ =	shalt  }
0x53: {  	_ =	shalt  }
0x54: {  	_ =	shalt  }
0x55: {  	_ =	shalt  }
0x56: {  	_ =	shalt  }
0x57: {  	_ =	shalt  }
0x58: {  	_ =	shalt  }
0x59: {  	_ =	shalt  }
0x5a: {  	_ =	shalt  }
0x5b: {  	_ =	shalt  }
0x5c: {  	_ =	shalt  }
0x5d: {  	_ =	shalt  }
0x5e: {  	_ =	shalt  }
0x5f: {  	_ =	shalt  }
0x60: {  	_ =	shalt  }
0x61: {  	_ =	shalt  }
0x62: {  	_ =	shalt  }
0x63: {  	_ =	shalt  }
0x64: {  	_ =	shalt  }
0x65: {  	_ =	shalt  }
0x66: {  	_ =	shalt  }
0x67: {  	_ =	shalt  }
0x68: {  	_ =	shalt  }
0x69: {  	_ =	shalt  }
0x6a: {  	_ =	shalt  }
0x6b: {  	_ =	shalt  }
0x6c: {  	_ =	shalt  }
0x6d: {  	_ =	shalt  }
0x6e: {  	_ =	shalt  }
0x6f: {  	_ =	shalt  }
0x70: {  	_ =	shalt  }
0x71: {  	_ =	shalt  }
0x72: {  	_ =	shalt  }
0x73: {  	_ =	shalt  }
0x74: {  	_ =	shalt  }
0x75: {  	_ =	shalt  }
0x76: {  	_ =	shalt  }
0x77: {  	_ =	shalt  }
0x78: {  	_ =	shalt  }
0x79: {  	_ =	shalt  }
0x7a: {  	_ =	shalt  }
0x7b: {  	_ =	shalt  }
0x7c: {  	_ =	shalt  }
0x7d: {  	_ =	shalt  }
0x7e: {  	_ =	shalt  }
0x7f: {  	_ =	shalt  }
0x80: {  	_ =	shalt  }
0x81: {  	_ =	shalt  }
0x82: {  	_ =	shalt  }
0x83: {  	_ =	shalt  }
0x84: {  	_ =	shalt  }
0x85: {  	_ =	shalt  }
0x86: {  	_ =	shalt  }
0x87: {  	_ =	shalt  }
.Lfunc_end0:
.L_simem_size_0:
called_computation_lowered:
.L_overlay_start_0:
0x88: {  	s2 =	sld [smem:$0x3FD9]  }
0x89: {  	s3 =	sld [smem:$0x3FFE];
	_ =	sdelay $0x1  }
0x8a: {  	s1 =	srdreg.scid  }
0x8b: {  	s0 =	sand.u32 $0x1, s1  }
0x8c: {  	s17 =	sshll.u32 s0, $0xA;
	s2 =	sadd.s32 s3, s2  }
0x8d: {  	s2 =	sadd.s32 s2, s17  }
0x8e: {  	[smem:$0x3FC7] =	sst s2  }
0x8f: {  	_ = 	snop  }
0x90: {  	s2 =	sld [smem:$0x3FC9];
	(tm) =	ssettm $0x1  }
0x91: {  	s18 =	sld [smem:$0x3FFB];
	_ =	sdelay $0x3  }
0x92: {  	_ =	strace s18  }
0x93: {  	s3 =	sld [smem:$0x3FFC];
	_ =	sdelay $0x3  }
0x94: {  	_ =	strace s3  }
0x95: {  	s3 =	sld [smem:$0x3FFD];
	_ =	sdelay $0x3  }
0x96: {  	_ =	strace s3  }
0x97: {  	_ =	strace $0x8FFFFFFF  }
0x98: {  	s19 =	sld [smem:$0x3FDB];
	_ =	sdelay $0x1  }
0x99: {  	s4 =	simm.s32 $_scs_section_size  }
0x9a: {  	s5 =	simm.s32 $_size__tile_overlayer_lowered;
	s6 =	simm.s32 $_tile_overlayer_lowered  }
0x9b: {  	s22 =	simm.s32 $0x1BFF;
	s21 =	sshll.u32 s6, $0x1;
	s3 =	sadd.s32 s4, s19  }
0x9c: {  	s7 =	simm.s32 $0x0;
	s20 =	sshll.u32 s5, $0x1;
	s5 =	sadd.s32 s21, s3  }
0x9d: {  	[timem:s7], [sflag:s22] =	dma.local [hbm:s5], s20  }
0x9e: {  	_ =	swait.ge [sflag:s22], s20  }
0x9f: {  	s4 =	ssub.s32 $0x0, s20;
	[sflag:s22] =	ssyncset.done $0x0  }
0xa0: {  	[sflag:s22] =	ssyncadd.s32 s4;
	_ =	sdelay $0x1  }
0xa1: {  	s23 =	simm.s32 $0x1B8B  }
0xa2: {  	_ =	swait.ge [sflag:s23], $0x1  }
0xa3: {  	[sflag:s23] =	ssyncset.done $0x0  }
0xa4: {  	s25 =	simm.s32 $0x1B8E;
	s24 =	sld [smem:$0x3FFE];
	[sflag:s23] =	ssyncadd.s32 $0xFFFFFFFF  }
0xa5: {  	s26 =	simm.s32 $execute0_lowered;
	[smem:$0x3FD2] =	sst s25  }
0xa6: {  	s5 =	sshll.u32 s26, $0x1;
	_ =	strace $0x80000046;
	[dreg:$0x1] =	wrdreg $0xFFFFFFFF  }
0xa7: {  	s28 =	simm.s32 $_size_execute0_lowered;
	s3 =	sadd.s32 s3, s5;
	[dreg:$0x0] =	wrdreg $0x0  }
0xa8: {  	s5 =	sshll.u32 s28, $0x1;
	[dreg:$0x2] =	wrdreg s3  }
0xa9: {  	[dreg:$0x3] =	wrdreg s5  }
0xaa: {  	[dreg:$0x4] =	wrdreg $0xC0  }
0xab: {  	_ =	task [dreg:s7], $0x5FFFF  }
0xac: {  	[dreg:$0x1] =	wrdreg $0xFFFFFFFF  }
0xad: {  	[dreg:$0x0] =	wrdreg $0x60  }
0xae: {  	[dreg:$0x2] =	wrdreg s2  }
0xaf: {  	[dreg:$0x3] =	wrdreg s24  }
0xb0: {  	[dreg:$0x4] =	wrdreg $0x9  }
0xb1: {  	_ =	task.clear_ibuf [dreg:s7], $0x5FFFF;
	_ =	strace $0x90000046  }
0xb2: {  	s29 =	simm.s32 $0x9;
	_ =	strace $0x80000048  }
0xb3: {  	_ =	swait.ge [sflag:s29], $0x1  }
0xb4: {  	[sflag:s29] =	ssyncadd.s32 $0xFFFFFFFF  }
0xb5: {  	_ =	strace $0x90000048  }
0xb6: {  	_ =	sfence  }
0xb7: {  	s30 =	sld [smem:$0x0];
	_ =	sdelay $0x2  }
0xb8: {  	s31 =	sshll.u32 s1, $0xD;
	s1 =	sshrl.u32 s1, $0x2  }
0xb9: {  	s3 =	sand.u32 $0x4000, s31;
	s1 =	sadd.s32 s1, s30  }
0xba: {  	s0 =	sor.u32 s3, s0;
	s1 =	sshll.u32 s1, $0x11  }
0xbb: {  	s0 =	sor.u32 s1, s0  }
0xbc: {  	s0 =	sadd.s32 $0x8F2B, s0  }
0xbd: {  	[sflag:s0] =	ssyncadd.remote.s32 $0x1  }
0xbe: {  	_ =	sfence.sel $0xFFFF  }
0xbf: {  	[dreg:$0x0] =	wrdreg $0xFFFFFFFF;
	(pc) =	sbr.abs _section_cstart, $3  }
0xc0: {  	[dreg:$0x1] =	wrdreg $0xFFFFFFFF  }
0xc1: {  	_ =	task.clear_ibuf [dreg:s7], $0x2FFFF;
	_ =	strace $0x9FFFFFFF  }
0xc2: {  	(tm) =	ssettm $0x7FFFFFFF  }
0xc3: {  	_ =	shalt  }
tec
execute0_lowered:
.L_overlay_start_1:
0x0: {  	(tag) =	ssettag $0x1  }
0x1: {  	s8 =	rddreg [dreg:$0x0]  }
0x2: {  	s0 =	rddreg [dreg:$0x1]  }
0x3: {  	s2 =	simm.s32 $0x0;
	s1 =	srdreg.scid;
	s7 =	stileid.u32  }
0x4: {  	[smem:$0x7FF] =	sst s2;
	s1 =	sand.u32 $0x1, s1;
	s4 =	sadd.s32 $0x400, s0  }
0x5: {  	s5 =	sshll.u32 s7, $0x6;
	s7 =	sshll.u32 s7, $0x14;
	s0 =	sadd.s32 $0x1400, s0  }
0x6: {  	_ =	strace $0x80000047;
	s3 =	ssub.s32 $0x2, s1;
	[dreg:$0x3] =	wrdreg s4  }
0x7: {  	s6 =	sshll.u32 s1, $0x5;
	s1 =	sshll.u32 s1, $0x13;
	[dreg:$0x5] =	wrdreg s0  }
0x8: {  	s13 =	sshrl.u32 s3, $0x1;
	s5 =	sor.u32 s6, s5;
	s1 =	sor.u32 s1, s7  }
0x9: {  	s3 =	ssub.s32 s3, s13;
	s15 =	sor.u32 $0x1800, s1;
	s16 =	sor.u32 $0x1400, s1  }
0xa: {  	s17 =	sor.u32 $0x1000, s1;
	s18 =	sor.u32 $0xC00, s1;
	s19 =	sor.u32 $0x800, s1  }
0xb: {  	s20 =	sor.u32 $0x400, s1;
	s21 =	sor.u32 $0x1880, s1;
	s22 =	sor.u32 $0x1480, s1  }
0xc: {  	s23 =	sor.u32 $0x1080, s1;
	s24 =	sor.u32 $0xC80, s1;
	s25 =	sor.u32 $0x880, s1  }
0xd: {  	s26 =	sor.u32 $0x480, s1;
	s28 =	sor.u32 $0x80, s1;
	s29 =	sor.u32 $0x2, s5  }
0xe: {  	[dreg:$0x4] =	wrdreg s5;
	s31 =	sshll.u32 s5, $0xE;
	s14 =	smax.u32 s3, $0x1  }
0xf: {  	s9 =	sshrl.u32 s15, $0x3;
	s30 =	sshll.u32 s29, $0xE;
	[dreg:$0x6] =	wrdreg s14  }
0x10: {  	s15 =	sshrl.u32 s1, $0x3;
	s1 =	sshrl.u32 s29, $0x1;
	[dreg:$0x14] =	wrdreg s30  }
0x11: {  	s0 =	sor.u32 $0xC000, s31;
	[dreg:$0x15] =	wrdreg s1  }
0x12: {  	[dreg:$0x16] =	wrdreg s0  }
0x13: {  	s10 =	sshrl.u32 s16, $0x3;
	[dreg:$0x7] =	wrdreg s9  }
0x14: {  	s11 =	sshrl.u32 s17, $0x3;
	[dreg:$0x8] =	wrdreg s10  }
0x15: {  	s12 =	sshrl.u32 s18, $0x3;
	[dreg:$0x9] =	wrdreg s11  }
0x16: {  	s13 =	sshrl.u32 s19, $0x3;
	[dreg:$0xa] =	wrdreg s12  }
0x17: {  	[dreg:$0xb] =	wrdreg s13  }
0x18: {  	s16 =	sshrl.u32 s21, $0x3;
	[dreg:$0xd] =	wrdreg s15  }
0x19: {  	s17 =	sshrl.u32 s22, $0x3;
	[dreg:$0xe] =	wrdreg s16  }
0x1a: {  	s18 =	sshrl.u32 s23, $0x3;
	[dreg:$0xf] =	wrdreg s17  }
.Ltmp0:
0x1b: {  	s19 =	sshrl.u32 s24, $0x3;
	[dreg:$0x10] =	wrdreg s18;
	(pc) =	sbr.rel .LBB2_1-.Ltmp0, $4  }
0x1c: {  	s23 =	sshrl.u32 s26, $0x3;
	[dreg:$0x11] =	wrdreg s19  }
0x1d: {  	s14 =	sshrl.u32 s20, $0x3;
	[dreg:$0x13] =	wrdreg s23  }
0x1e: {  	s22 =	sshrl.u32 s28, $0x3;
	s20 =	sshrl.u32 s25, $0x3;
	[dreg:$0xc] =	wrdreg s14  }
0x1f: {  	v0 =	vlaneseq.u32;
	s3 =	simm.s32 $0x0;
	s21 =	sor.u32 $0x390, s15;
	[dreg:$0x12] =	wrdreg s20  }
.LBB2_16:
0x20: {  	s0 =	simm.s32 $0x3  }
0x21: {  	_ =	swait.ge [sflag:s0], $0x8000  }
0x22: {  	[sflag:s0] =	ssyncset.done $0x0  }
0x23: {  	s1 =	simm.s32 $0x4;
	[sflag:s0] =	ssyncadd.s32 $0xFFFF8000  }
0x24: {  	_ =	swait.ge [sflag:s1], $0x8000  }
0x25: {  	s3 =	rddreg [dreg:$0x17]  }
0x26: {  	s31 =	rddreg [dreg:$0x6]  }
0x27: {  	s9 =	rddreg [dreg:$0x7]  }
0x28: {  	s10 =	rddreg [dreg:$0x8]  }
0x29: {  	s11 =	rddreg [dreg:$0x9]  }
0x2a: {  	s12 =	rddreg [dreg:$0xa]  }
0x2b: {  	s13 =	rddreg [dreg:$0xb]  }
0x2c: {  	s14 =	rddreg [dreg:$0xc]  }
0x2d: {  	s15 =	rddreg [dreg:$0xd]  }
0x2e: {  	s16 =	rddreg [dreg:$0xe];
	s3 =	sadd.s32 $0x1, s3  }
0x2f: {  	s17 =	rddreg [dreg:$0xf];
	p0 =	sne.s32 s3, s31  }
.Ltmp1:
0x30: {  	s18 =	rddreg [dreg:$0x10];
	(pc) =	sbr.rel @!p0 .LBB2_17-.Ltmp1, $4  }
0x31: {  	s19 =	rddreg [dreg:$0x11]  }
0x32: {  	[sflag:s1] =	ssyncset.done $0x0;
	s20 =	rddreg [dreg:$0x12]  }
0x33: {  	s23 =	rddreg [dreg:$0x13];
	[sflag:s1] =	ssyncadd.s32 $0xFFFF8000  }
0x34: {  	s8 =	rddreg [dreg:$0x0]  }
.LBB2_1:
0x35: {  	[dreg:$0x17] =	wrdreg s3;
	s0 =	simm.s32 $0x80;
	s4 =	sadd.s32 s8, s15  }
0x36: {  	[tilespmem:s0], [sflag:$0x1] =	stream.linear.gather [hbm4b:s4+s2], $0x80, $0x38;
	[tilespmem:$0x19200] =	vst v63  }
0x37: {  	s3 =	simm.s32 $0x100;
	s1 =	sadd.s32 s8, s14;
	s5 =	simm.s32 $0x180  }
0x38: {  	[tilespmem:s3], [sflag:$0x1] =	stream.linear.gather [hbm4b:s1+s2], $0x80, $0x38;
	[tilespmem:$0x19200] =	vst v63  }
0x39: {  	s6 =	sadd.s32 s8, s13;
	s7 =	simm.s32 $0x200;
	s24 =	sadd.s32 s8, s12  }
0x3a: {  	[tilespmem:s5], [sflag:$0x1] =	stream.linear.gather [hbm4b:s6+s2], $0x80, $0x38;
	[tilespmem:$0x19200] =	vst v63  }
0x3b: {  	s25 =	simm.s32 $0x280;
	s26 =	sadd.s32 s8, s11;
	s28 =	simm.s32 $0x300  }
0x3c: {  	[tilespmem:s7], [sflag:$0x1] =	stream.linear.gather [hbm4b:s24+s2], $0x80, $0x38;
	[tilespmem:$0x19200] =	vst v63  }
0x3d: {  	s29 =	sadd.s32 s8, s10;
	s30 =	simm.s32 $0x380;
	s31 =	sadd.s32 s8, s9  }
0x3e: {  	[tilespmem:s25], [sflag:$0x1] =	stream.linear.gather [hbm4b:s26+s2], $0x80, $0x38;
	[tilespmem:$0x19200] =	vst v63  }
0x3f: {  	s0 =	simm.s32 $0x4300;
	s1 =	simm.s32 $0x0;
	s3 =	sadd.s32 $0x400, s8  }
0x40: {  	[tilespmem:s28], [sflag:$0x1] =	stream.linear.gather [hbm4b:s29+s2], $0x80, $0x38;
	[tilespmem:$0x19200] =	vst v63  }
0x41: {  	s5 =	simm.s32 $0x400;
	s6 =	sadd.s32 $0x380, s4;
	s4 =	simm.s32 $0x600  }
0x42: {  	[tilespmem:s30], [sflag:$0x1] =	stream.linear.gather [hbm4b:s31+s2], $0x80, $0x38;
	[tilespmem:$0x19200] =	vst v63  }
.LBB2_2:
0x43: {  	[tilespmem:s5], [sflag:$0x1] =	stream.linear.gather [hbm4b:s6+s2], $0x80, $0x38;
	[tilespmem:$0x19200] =	vst v63  }
0x44: {  	s5 =	sadd.s32 $0xFFFFFE80, s4;
	s6 =	sadd.s32 s3, s15;
	s1 =	sadd.s32 $0x8, s1  }
0x45: {  	[tilespmem:s5], [sflag:$0x1] =	stream.linear.gather [hbm4b:s6+s2], $0x80, $0x38;
	[tilespmem:$0x19200] =	vst v63  }
0x46: {  	s7 =	sadd.s32 s3, s14;
	p0 =	slt.u32 s1, $0x78;
	s5 =	sadd.s32 $0xFFFFFF00, s4  }
0x47: {  	[tilespmem:s5], [sflag:$0x1] =	stream.linear.gather [hbm4b:s7+s2], $0x80, $0x38;
	[tilespmem:$0x19200] =	vst v63  }
0x48: {  	s5 =	sadd.s32 $0xFFFFFF80, s4;
	s7 =	sadd.s32 s3, s13  }
0x49: {  	[tilespmem:s5], [sflag:$0x1] =	stream.linear.gather [hbm4b:s7+s2], $0x80, $0x38;
	[tilespmem:$0x19200] =	vst v63  }
0x4a: {  	s5 =	sadd.s32 s3, s12  }
0x4b: {  	[tilespmem:s4], [sflag:$0x1] =	stream.linear.gather [hbm4b:s5+s2], $0x80, $0x38;
	[tilespmem:$0x19200] =	vst v63  }
0x4c: {  	s7 =	sadd.s32 s3, s11;
	s5 =	sadd.s32 $0x80, s4  }
0x4d: {  	[tilespmem:s5], [sflag:$0x1] =	stream.linear.gather [hbm4b:s7+s2], $0x80, $0x38;
	[tilespmem:$0x19200] =	vst v63  }
.Ltmp2:
0x4e: {  	s5 =	sadd.s32 $0x100, s4;
	s7 =	sadd.s32 s3, s10;
	(pc) =	sbr.rel @p0 .LBB2_2-.Ltmp2, $4  }
0x4f: {  	[tilespmem:s5], [sflag:$0x1] =	stream.linear.gather [hbm4b:s7+s2], $0x80, $0x38;
	[tilespmem:$0x19200] =	vst v63  }
0x50: {  	s5 =	sadd.s32 $0x180, s4;
	s7 =	sadd.s32 s3, s9;
	s3 =	sadd.s32 $0x400, s3  }
0x51: {  	[tilespmem:s5], [sflag:$0x1] =	stream.linear.gather [hbm4b:s7+s2], $0x80, $0x38;
	[tilespmem:$0x19200] =	vst v63  }
0x52: {  	s6 =	sadd.s32 $0x380, s6;
	s5 =	sadd.s32 $0x200, s4;
	s4 =	sadd.s32 $0x400, s4  }
0x53: {  	[tilespmem:s5], [sflag:$0x1] =	stream.linear.gather [hbm4b:s6+s2], $0x80, $0x38;
	[tilespmem:$0x19200] =	vst v63  }
0x54: {  	s1 =	simm.s32 $0x4180;
	s3 =	sadd.s32 s8, s22  }
0x55: {  	[tilespmem:s1], [sflag:$0x2] =	stream.linear.gather [hbm4b:s3+s2], $0x80, $0x38;
	[tilespmem:$0x19200] =	vst v63  }
0x56: {  	s12 =	simm.s32 $0x4200;
	s13 =	sadd.s32 s8, s23  }
0x57: {  	[tilespmem:s12], [sflag:$0x2] =	stream.linear.gather [hbm4b:s13+s2], $0x80, $0x38;
	[tilespmem:$0x19200] =	vst v63  }
0x58: {  	s14 =	simm.s32 $0x4280;
	s15 =	sadd.s32 s8, s20  }
0x59: {  	[tilespmem:s14], [sflag:$0x2] =	stream.linear.gather [hbm4b:s15+s2], $0x80, $0x38;
	[tilespmem:$0x19200] =	vst v63  }
0x5a: {  	s24 =	sadd.s32 s8, s19;
	s25 =	simm.s32 $0x4380;
	s26 =	sadd.s32 s8, s18  }
0x5b: {  	[tilespmem:s0], [sflag:$0x2] =	stream.linear.gather [hbm4b:s24+s2], $0x80, $0x38;
	[tilespmem:$0x19200] =	vst v63  }
0x5c: {  	s28 =	simm.s32 $0x4400;
	s29 =	sadd.s32 s8, s17;
	s30 =	simm.s32 $0x4480  }
0x5d: {  	[tilespmem:s25], [sflag:$0x2] =	stream.linear.gather [hbm4b:s26+s2], $0x80, $0x38;
	[tilespmem:$0x19200] =	vst v63  }
0x5e: {  	s31 =	sadd.s32 s8, s16;
	s4 =	simm.s32 $0x4500;
	s5 =	sadd.s32 s8, s21  }
0x5f: {  	[tilespmem:s28], [sflag:$0x2] =	stream.linear.gather [hbm4b:s29+s2], $0x80, $0x38;
	[tilespmem:$0x19200] =	vst v63  }
0x60: {  	s1 =	sadd.s32 $0x400, s8;
	s3 =	simm.s32 $0x4700;
	s0 =	simm.s32 $0x0  }
0x61: {  	[tilespmem:s30], [sflag:$0x2] =	stream.linear.gather [hbm4b:s31+s2], $0x80, $0x38;
	[tilespmem:$0x19200] =	vst v63  }
.LBB2_4:
0x62: {  	[tilespmem:s4], [sflag:$0x2] =	stream.linear.gather [hbm4b:s5+s2], $0x80, $0x38;
	[tilespmem:$0x19200] =	vst v63  }
0x63: {  	s4 =	sadd.s32 $0xFFFFFE80, s3;
	s5 =	sadd.s32 s1, s22;
	s0 =	sadd.s32 $0x8, s0  }
0x64: {  	[tilespmem:s4], [sflag:$0x2] =	stream.linear.gather [hbm4b:s5+s2], $0x80, $0x38;
	[tilespmem:$0x19200] =	vst v63  }
0x65: {  	p0 =	slt.u32 s0, $0x78;
	s4 =	sadd.s32 $0xFFFFFF00, s3;
	s5 =	sadd.s32 s1, s23  }
0x66: {  	[tilespmem:s4], [sflag:$0x2] =	stream.linear.gather [hbm4b:s5+s2], $0x80, $0x38;
	[tilespmem:$0x19200] =	vst v63  }
0x67: {  	s6 =	smov.u32 s1;
	s4 =	sadd.s32 $0xFFFFFF80, s3;
	s5 =	sadd.s32 s1, s20  }
0x68: {  	[tilespmem:s4], [sflag:$0x2] =	stream.linear.gather [hbm4b:s5+s2], $0x80, $0x38;
	[tilespmem:$0x19200] =	vst v63  }
0x69: {  	s4 =	sadd.s32 s1, s19  }
0x6a: {  	[tilespmem:s3], [sflag:$0x2] =	stream.linear.gather [hbm4b:s4+s2], $0x80, $0x38;
	[tilespmem:$0x19200] =	vst v63  }
0x6b: {  	s5 =	sadd.s32 s1, s18;
	s4 =	sadd.s32 $0x80, s3  }
0x6c: {  	[tilespmem:s4], [sflag:$0x2] =	stream.linear.gather [hbm4b:s5+s2], $0x80, $0x38;
	[tilespmem:$0x19200] =	vst v63  }
.Ltmp3:
0x6d: {  	s4 =	sadd.s32 $0x100, s3;
	s5 =	sadd.s32 s1, s17;
	(pc) =	sbr.rel @p0 .LBB2_4-.Ltmp3, $4  }
0x6e: {  	[tilespmem:s4], [sflag:$0x2] =	stream.linear.gather [hbm4b:s5+s2], $0x80, $0x38;
	[tilespmem:$0x19200] =	vst v63  }
0x6f: {  	s1 =	sadd.s32 $0x400, s1;
	s4 =	sadd.s32 $0x180, s3;
	s5 =	sadd.s32 s6, s16  }
0x70: {  	[tilespmem:s4], [sflag:$0x2] =	stream.linear.gather [hbm4b:s5+s2], $0x80, $0x38;
	[tilespmem:$0x19200] =	vst v63  }
0x71: {  	s4 =	sadd.s32 $0x200, s3;
	s5 =	sadd.s32 s6, s21;
	s3 =	sadd.s32 $0x400, s3  }
0x72: {  	[tilespmem:s4], [sflag:$0x2] =	stream.linear.gather [hbm4b:s5+s2], $0x80, $0x38;
	[tilespmem:$0x19200] =	vst v63  }
0x73: {  	s1 =	rddreg [dreg:$0x16]  }
0x74: {  	s8 =	rddreg [dreg:$0x15]  }
0x75: {  	s0 =	simm.s32 $0x2;
	s9 =	rddreg [dreg:$0x14];
	s15 =	simm.s32 $0x0  }
.LBB2_6:
0x76: {  	[dreg:$0x18] =	wrdreg s0  }
0x77: {  	s12 =	sand.u32 $0x7, s0;
	[dreg:$0x19] =	wrdreg s1;
	s13 =	sand.u32 $0xFFFE0000, s1  }
0x78: {  	s6 =	simm.s32 $0x1;
	s18 =	simm.s32 $0x2;
	p0 =	seq.s32 s15, $0x0  }
0x79: {  	s19 =	sand.u32 $0x3, s8;
	s20 =	sand.u32 $0xFFFE0000, s9;
	s0 =	sshll.u32 s12, $0x7  }
0x7a: {  	s11 =	simm.s32 $0x1;
	_ =	swait.ge [sflag:s6], $0x4000;
	s0 =	sor.u32 s0, s13  }
0x7b: {  	s23 =	simm.s32 $0x0;
	[sflag:s6] =	ssyncset.done $0x0;
	s1 =	sadd.s32 $0x1880, s0  }
0x7c: {  	s4 =	sadd.s32 $0x1480, s0;
	s14 =	sadd.s32 $0x1080, s0;
	s16 =	sadd.s32 $0xC80, s0  }
0x7d: {  	s17 =	sadd.s32 $0x880, s0;
	s5 =	sadd.s32 $0x480, s0;
	[sflag:s6] =	ssyncadd.s32 $0xFFFFC000  }
0x7e: {  	s0 =	sadd.s32 $0x80, s0;
	s3 =	sshrl.u32 s1, $0x3;
	s29 =	sshrl.u32 s4, $0x3  }
0x7f: {  	s30 =	sshrl.u32 s14, $0x3;
	s7 =	sshrl.u32 s16, $0x3;
	s4 =	sshrl.u32 s17, $0x3  }
0x80: {  	s5 =	sshrl.u32 s5, $0x3;
	_ =	swait.ge [sflag:s18], $0x4000;
	[dreg:$0x1a] =	wrdreg s8  }
0x81: {  	s8 =	simm.s32 @!p0 $0x3;
	[dreg:$0x1b] =	wrdreg s9;
	[sflag:s18] =	ssyncset.done $0x0  }
0x82: {  	s1 =	sshll.u32 s19, $0x8;
	s6 =	sshrl.u32 s0, $0x3;
	[sflag:s18] =	ssyncadd.s32 $0xFFFFC000  }
0x83: {  	s9 =	simm.s32 $0x0;
	s0 =	sor.u32 s1, s20;
	_ =	swait.ge @!p0 [sflag:s8], $0x8000  }
0x84: {  	s1 =	sand.u32 $0x80, s23;
	s11 =	smul.u32 s9, s11;
	[sflag:s8] =	ssyncset.done @!p0 $0x0  }
0x85: {  	s10 =	sor.u32 $0x1800, s0;
	[sflag:s8] =	ssyncadd.s32 @!p0 $0xFFFF8000;
	s8 =	simm.s32 @!p0 $0x4  }
0x86: {  	s24 =	sadd.s32 $0xFFFFFF81, s1;
	s12 =	sadd.s32 $0xFFFFFFA1, s1;
	_ =	swait.ge @!p0 [sflag:s8], $0x8000  }
0x87: {  	s13 =	sadd.s32 $0xFFFFFFB1, s1;
	s25 =	sor.u32 $0x1400, s0;
	[sflag:s8] =	ssyncset.done @!p0 $0x0  }
0x88: {  	s14 =	sor.u32 $0x1000, s0;
	[sflag:s8] =	ssyncadd.s32 @!p0 $0xFFFF8000;
	s8 =	sadd.s32 s1, s11  }
0x89: {  	s16 =	sadd.s32 $0xFFFFFFF1, s1;
	s17 =	sor.u32 $0xC00, s0;
	s18 =	sor.u32 $0x800, s0;
	v3 =	vadd.s32 s24, v0;
	v2 =	vadd.s32 s12, v0;
	v4 =	vadd.s32 s13, v0;
	v1 =	vld [tilespmem:s8+$0x4171]  }
0x8a: {  	s19 =	sadd.s32 $0xFFFFFFD1, s1;
	s20 =	sor.u32 $0x400, s0;
	s23 =	sshrl.u32 s14, $0x3;
	v6 =	vadd.s32 s16, v0;
	v5 =	vsub.s32 $0x0, v2;
	v7 =	vsub.s32 $0x0, v4;
	v9 =	vld [tilespmem:s8+$0x71]  }
0x8b: {  	v8 =	vadd.s32 s19, v0;
	s13 =	sshll.u32 s15, $0x1;
	s16 =	sadd.s32 $0xFFFFFFC1, s1;
	v11 =	vmin.u32 v2, v5;
	v2 =	vmin.u32 v4, v7;
	s14 =	rddreg [dreg:$0x4];
	v4 =	vld [tilespmem:s8+$0x4131]  }
0x8c: {  	s26 =	sshrl.u32 s10, $0x3;
	v10 =	vsub.s32 $0x0, v8;
	v14 =	vadd.s32 s16, v0;
	vm1 =	vgt.s32 v2, s9;
	s10 =	sadd.s32 s14, s13;
	v2 =	vld [tilespmem:s8+$0x1];
	[dreg:$0x1c] =	wrdreg s15  }
0x8d: {  	s28 =	sshrl.u32 s25, $0x3;
	s12 =	sadd.s32 $0xFFFFFFE1, s1;
	v5 =	vsub.s32 $0x0, v3;
	v7 =	vsub.s32 $0x0, v6;
	v12 =	vmin.u32 v8, v10;
	v13 =	vld [tilespmem:s8+$0x51];
	[dreg:$0x1d] =	wrdreg s10  }
0x8e: {  	s25 =	sshrl.u32 s17, $0x3;
	s24 =	sshrl.u32 s18, $0x3;
	v3 =	vmin.u32 v3, v5;
	v5 =	vadd.s32 s12, v0;
	v7 =	vmin.u32 v6, v7;
	s15 =	simm.s32 $0x0;
	v6 =	vld [tilespmem:s8+$0x4141]  }
0x8f: {  	s17 =	sshll.u32 s1, $0x3;
	s18 =	simm.s32 $0x0;
	vm5 =	vgt.u32 v12, s9;
	vm2 =	vgt.u32 v11, s9;
	v10 =	vsub.s32 $0x0, v5;
	s10 =	sand.u32 $0x7800, s15;
	v8 =	vld [tilespmem:s8+$0x4151]  }
0x90: {  	s0 =	sshrl.u32 s0, $0x3;
	s19 =	sand.u32 $0x380, s18;
	v11 =	vsub.s32 $0x0, v14;
	vm4 =	vgt.s32 v7, s9;
	v5 =	vmin.u32 v5, v10;
	s10 =	sor.u32 s17, s10;
	v7 =	vld [tilespmem:s8+$0x31]  }
0x91: {  	s31 =	sshrl.u32 s20, $0x3;
	s20 =	sadd.s32 $0xFFFFFF91, s1;
	v12 =	vmin.u32 v14, v11;
	vm0 =	vgt.u32 v5, s9;
	v5 =	vld [tilespmem:s8+$0x4101];
	s10 =	sor.u32 s19, s10;
	v15 =	vsel vm4, $0x0, v9  }
0x92: {  	s11 =	simm.s32 $0x0;
	s1 =	simm.s32 $0x4101;
	s13 =	simm.s32 $0x80;
	v10 =	vsel vm1, $0x0, v4;
	v9 =	vadd.s32 s20, v0;
	v4 =	vld [tilespmem:s8+$0x11];
	v11 =	vsel vm5, $0x0, v13;
	[tilespmem:s10+$0x8270] =	vst v15  }
.LBB2_7:
0x93: {  	s11 =	sadd.s32 $0x8, s11;
	s12 =	sand.u32 $0x80, s13;
	v13 =	vsub.s32 $0x0, v9;
	[tilespmem:s10+$0x10A30] =	vst v10;
	vm3 =	vgt.u32 v12, s9;
	v10 =	vld [tilespmem:s8+$0x61];
	v1 =	vsel vm4, $0x0, v1  }
0x94: {  	vm6 =	vgt.s32 v3, s9;
	s15 =	sshrl.u32 s11, $0x4;
	s14 =	sadd.s32 $0xFFFFFF81, s12;
	s16 =	sadd.s32 $0xFFFFFFA1, s12;
	v3 =	vld [tilespmem:s8+$0x21];
	v6 =	vsel vm3, $0x0, v6;
	[tilespmem:s10+$0x8250] =	vst v11;
	v8 =	vsel vm5, $0x0, v8  }
0x95: {  	s18 =	sadd.s32 $0xFFFFFFB1, s12;
	s19 =	sadd.s32 $0xFFFFFFF1, s12;
	v2 =	vsel vm6, $0x0, v2;
	v9 =	vmin.u32 v9, v13;
	s17 =	sadd.s32 $0x1, s15;
	v11 =	vadd.s32 s14, v0;
	v12 =	vld [tilespmem:s8+$0x4111];
	[tilespmem:s10+$0x10A70] =	vst v1  }
0x96: {  	s20 =	sshll.u32 s11, $0x4;
	s14 =	sadd.s32 $0xFFFFFF91, s12;
	v1 =	vadd.s32 s16, v0;
	vm4 =	vgt.s32 v9, s9;
	v7 =	vsel vm1, $0x0, v7;
	s17 =	smul.u32 s15, s17;
	v9 =	vld [tilespmem:s8+$0x41];
	[tilespmem:s10+$0x10A50] =	vst v8  }
0x97: {  	p0 =	slt.u32 s11, $0x7E8;
	s9 =	sand.u32 $0x7800, s20;
	s16 =	sshll.u32 s12, $0x3;
	v13 =	vadd.s32 s19, v0;
	v8 =	vsub.s32 $0x0, v1;
	v4 =	vsel vm4, $0x0, v4;
	v14 =	vld [tilespmem:s8+$0x4121];
	[tilespmem:s10+$0x10A40] =	vst v6  }
0x98: {  	s16 =	sor.u32 s16, s9;
	v5 =	vsel vm6, $0x0, v5;
	s9 =	smov.u32 s15;
	v15 =	vmin.u32 v1, v8;
	v6 =	vadd.s32 s18, v0;
	[tilespmem:s10+$0x8230] =	vst v7;
	v7 =	vld [tilespmem:s8+$0x4161];
	s8 =	sadd.s32 s12, s17  }
0x99: {  	s15 =	sadd.s32 $0xFFFFFFD1, s12;
	v17 =	vsub.s32 $0x0, v13;
	v8 =	vsub.s32 $0x0, v11;
	v16 =	vsub.s32 $0x0, v6;
	v1 =	vld [tilespmem:s8+$0x4171];
	[tilespmem:s10+$0x10A00] =	vst v5  }
0x9a: {  	v5 =	vmin.u32 v6, v16;
	v6 =	vadd.s32 s15, v0;
	v16 =	vld [tilespmem:s8+$0x71];
	[tilespmem:s10+$0x8200] =	vst v2;
	v2 =	vsel vm0, $0x0, v10  }
0x9b: {  	v18 =	vsel vm2, $0x0, v3;
	vm1 =	vgt.s32 v5, s9;
	v10 =	vsub.s32 $0x0, v6;
	v5 =	vld [tilespmem:s8+$0x4131];
	[tilespmem:s10+$0x8260] =	vst v2  }
0x9c: {  	s17 =	sadd.s32 $0xFFFFFFE1, s12;
	v3 =	vmin.u32 v11, v8;
	s15 =	sshll.u32 s11, $0x3;
	v11 =	vmin.u32 v6, v10;
	v6 =	vsel vm4, $0x0, v12;
	v2 =	vld [tilespmem:s8+$0x1];
	[tilespmem:s10+$0x8220] =	vst v18  }
0x9d: {  	v8 =	vmin.u32 v13, v17;
	s15 =	sand.u32 $0x380, s15;
	v10 =	vadd.s32 s17, v0;
	v12 =	vsel vm2, $0x0, v14;
	v18 =	vld [tilespmem:s8+$0x51];
	[tilespmem:s10+$0x10A10] =	vst v6  }
.Ltmp4:
0x9e: {  	s12 =	sadd.s32 $0xFFFFFFC1, s12;
	s15 =	sor.u32 s15, s16;
	vm4 =	vgt.s32 v8, s9;
	v13 =	vsub.s32 $0x0, v10;
	v7 =	vsel vm0, $0x0, v7;
	v6 =	vld [tilespmem:s8+$0x4141];
	[tilespmem:s10+$0x10A20] =	vst v12;
	(pc) =	sbr.rel @p0 .LBB2_7-.Ltmp4, $4  }
0x9f: {  	v9 =	vsel vm3, $0x0, v9;
	v13 =	vmin.u32 v10, v13;
	v12 =	vadd.s32 s12, v0;
	v8 =	vld [tilespmem:s8+$0x4151];
	[tilespmem:s10+$0x10A60] =	vst v7  }
0xa0: {  	vm5 =	vgt.u32 v11, s9;
	vm0 =	vgt.u32 v13, s9;
	v7 =	vld [tilespmem:s8+$0x31];
	v10 =	vsel vm1, $0x0, v5;
	[tilespmem:s10+$0x8240] =	vst v9  }
0xa1: {  	vm2 =	vgt.u32 v15, s9;
	v11 =	vsub.s32 $0x0, v12;
	v13 =	vsel vm4, $0x0, v16;
	v5 =	vld [tilespmem:s8+$0x4101];
	[tilespmem:s10+$0x8210] =	vst v4;
	s10 =	smov.u32 s15  }
0xa2: {  	s13 =	sadd.s32 $0x80, s13;
	s12 =	simm.s32 $0x1;
	v9 =	vadd.s32 s14, v0;
	v12 =	vmin.u32 v12, v11;
	v4 =	vld [tilespmem:s8+$0x11];
	v11 =	vsel vm5, $0x0, v18;
	[tilespmem:s10+$0x8270] =	vst v13  }
0xa3: {  	[tilespmem:s10+$0x10A30] =	vst v10  }
0xa4: {  	v57 =	vld [tilespmem:s8+$0x61];
	v1 =	vsel vm4, $0x0, v1;
	[tilespmem:s10+$0x8250] =	vst v11  }
0xa5: {  	vm3 =	vgt.u32 v12, s9;
	v58 =	vld [tilespmem:s8+$0x21];
	v8 =	vsel vm5, $0x0, v8;
	[tilespmem:s10+$0x10A70] =	vst v1  }
0xa6: {  	v59 =	vld [tilespmem:s8+$0x41];
	vm15 =	vgt.s32 v3, s9;
	v1 =	vsel vm3, $0x0, v6;
	[tilespmem:s10+$0x10A50] =	vst v8  }
0xa7: {  	v3 =	vld [tilespmem:s8+$0x4111];
	v2 =	vsel vm15, $0x0, v2;
	[tilespmem:s10+$0x10A40] =	vst v1  }
0xa8: {  	v7 =	vsel vm1, $0x0, v7;
	v1 =	vld [tilespmem:s8+$0x4121];
	[tilespmem:s10+$0x8200] =	vst v2  }
0xa9: {  	v60 =	vsub.s32 $0x0, v9;
	v5 =	vsel vm15, $0x0, v5;
	[tilespmem:s10+$0x8230] =	vst v7  }
0xaa: {  	v61 =	vld [tilespmem:s8+$0x4161];
	v62 =	vmin.u32 v9, v60;
	[tilespmem:s10+$0x10A00] =	vst v5;
	v2 =	vsel vm0, $0x0, v57  }
0xab: {  	vm1 =	vgt.s32 v62, s9;
	v63 =	vsel vm2, $0x0, v58;
	[tilespmem:s10+$0x8260] =	vst v2  }
0xac: {  	s13 =	simm.s32 $0x7F;
	s17 =	simm.s32 $0x80;
	v2 =	vsel vm1, $0x0, v3;
	[tilespmem:s10+$0x8220] =	vst v63  }
0xad: {  	s8 =	smul.u32 s17, s13;
	[tilespmem:s10+$0x10A10] =	vst v2;
	v1 =	vsel vm2, $0x0, v1  }
0xae: {  	v2 =	vsel vm3, $0x0, v59;
	[tilespmem:s10+$0x10A20] =	vst v1  }
0xaf: {  	s8 =	sshll.u32 s8, $0x2;
	v1 =	vsel vm0, $0x0, v61;
	[tilespmem:s10+$0x8240] =	vst v2  }
0xb0: {  	s18 =	simm.s32 $0x7F00;
	s14 =	simm.s32 $0xFFFFFF81;
	s8 =	sshra.s32 s8, $0x2;
	[tilespmem:s10+$0x10A60] =	vst v1;
	v1 =	vsel vm1, $0x0, v4  }
0xb1: {  	s19 =	simm.s32 $0x3F800;
	s15 =	sand.u32 $0x7800, s18;
	s11 =	sadd.s32 $0x1, s8;
	[tilespmem:s10+$0x8210] =	vst v1;
	v1 =	vadd.s32 s14, v0  }
0xb2: {  	s20 =	sand.u32 $0x400, s19;
	s18 =	simm.s32 $0x7F00;
	s19 =	simm.s32 $0x7F10;
	v2 =	vld [tilespmem:s11+$0x0];
	v3 =	vsub.s32 $0x0, v1  }
0xb3: {  	s9 =	simm.s32 $0x7F10;
	s18 =	sand.u32 $0x70, s18;
	s16 =	sadd.s32 $0x4101, s8;
	v1 =	vmin.u32 v1, v3  }
0xb4: {  	s17 =	simm.s32 $0x3F80;
	s18 =	sor.u32 s20, s18;
	s20 =	simm.s32 $0x80;
	vm0 =	vgt.s32 v1, s13;
	v1 =	vld [tilespmem:s16+$0x0]  }
0xb5: {  	s15 =	sor.u32 s15, s18;
	s8 =	simm.s32 $0x7F1;
	s11 =	simm.s32 $0x7F  }
0xb6: {  	s14 =	sand.u32 $0x7800, s19;
	s19 =	sand.u32 $0x380, s17;
	s16 =	smul.u32 s20, s11  }
0xb7: {  	s10 =	simm.s32 $0x7F20;
	s15 =	sor.u32 s19, s15;
	s13 =	simm.s32 $0x3F880;
	v2 =	vsel vm0, $0x0, v2  }
.LBB2_9:
0xb8: {  	s16 =	sshll.u32 s16, $0x2;
	s12 =	sadd.s32 $0x10, s12;
	s1 =	sadd.s32 $0x10, s1  }
0xb9: {  	[tilespmem:s15+$0x8200] =	vst v2;
	v1 =	vsel vm0, $0x0, v1;
	s17 =	smov.u32 s10;
	s18 =	smov.u32 s11;
	s19 =	smov.u32 s14  }
0xba: {  	p0 =	sne.s32 s10, $0x7FF0;
	s10 =	sadd.s32 $0x10, s10;
	s11 =	sshra.s32 s16, $0x2;
	[tilespmem:s15+$0x10A00] =	vst v1  }
0xbb: {  	s14 =	sadd.s32 s11, s12;
	s11 =	sadd.s32 s11, s1  }
0xbc: {  	s20 =	sshll.u32 s8, $0x3;
	s15 =	sadd.s32 $0xFFFF8081, s9;
	v2 =	vld [tilespmem:s14+$0x0]  }
.Ltmp5:
0xbd: {  	s8 =	sadd.s32 $0x1, s8;
	v3 =	vadd.s32 s15, v0;
	s15 =	sand.u32 $0x400, s13;
	v1 =	vld [tilespmem:s11+$0x0];
	(pc) =	sbr.rel @p0 .LBB2_9-.Ltmp5, $4  }
0xbe: {  	s9 =	sand.u32 $0x70, s9;
	s14 =	sshll.u32 s8, $0x4;
	v4 =	vsub.s32 $0x0, v3;
	s11 =	sshrl.u32 s8, $0x4  }
0xbf: {  	s9 =	sor.u32 s15, s9;
	s14 =	sand.u32 $0x7800, s14;
	v3 =	vmin.u32 v3, v4;
	s16 =	sadd.s32 $0x1, s11  }
0xc0: {  	s15 =	sand.u32 $0x380, s20;
	s9 =	sor.u32 s19, s9;
	vm0 =	vgt.s32 v3, s18;
	s16 =	smul.u32 s16, s11  }
0xc1: {  	s13 =	sadd.s32 $0x80, s13;
	s15 =	sor.u32 s15, s9;
	s9 =	smov.u32 s17;
	v2 =	vsel vm0, $0x0, v2  }
0xc2: {  	s10 =	sshll.u32 s16, $0x2  }
0xc3: {  	[tilespmem:s15+$0x8200] =	vst v2;
	v1 =	vsel vm0, $0x0, v1;
	s12 =	sadd.s32 $0x10, s12;
	s10 =	sshra.s32 s10, $0x2  }
0xc4: {  	s1 =	sadd.s32 $0x10, s1;
	[tilespmem:s15+$0x10A00] =	vst v1;
	s12 =	sadd.s32 s10, s12  }
0xc5: {  	s20 =	sadd.s32 $0xFFFF8081, s9;
	s1 =	sadd.s32 s10, s1;
	v1 =	vld [tilespmem:s12+$0x0]  }
0xc6: {  	v2 =	vadd.s32 s20, v0;
	v3 =	vld [tilespmem:s1+$0x0]  }
0xc7: {  	s13 =	sand.u32 $0x400, s13;
	s15 =	sand.u32 $0x70, s9;
	v4 =	vsub.s32 $0x0, v2  }
0xc8: {  	s8 =	sshll.u32 s8, $0x3;
	s16 =	rddreg [dreg:$0x1d];
	v2 =	vmin.u32 v2, v4;
	s1 =	sor.u32 s13, s15  }
0xc9: {  	s17 =	rddreg [dreg:$0x3];
	s8 =	sand.u32 $0x380, s8;
	vm15 =	vgt.s32 v2, s11;
	s1 =	sor.u32 s14, s1  }
0xca: {  	s15 =	rddreg [dreg:$0x1c];
	s1 =	sor.u32 s8, s1;
	v1 =	vsel vm15, $0x0, v1  }
0xcb: {  	s18 =	simm.s32 $0x8200;
	p0 =	seq.s32 s15, $0xF;
	s8 =	sshll.u32 s16, $0xC;
	[tilespmem:s1+$0x8200] =	vst v1;
	v1 =	vsel vm15, $0x0, v3  }
.Ltmp6:
0xcc: {  	s19 =	rddreg [dreg:$0x5];
	[tilespmem:s1+$0x10A00] =	vst v1;
	s1 =	sadd.s32 s17, s8;
	(pc) =	sbr.rel @p0 .LBB2_16-.Ltmp6, $4  }
0xcd: {  	[hbm4b:s1+s2] =	stream.linear.scatter [tilespmem:s18], [sflag:$0x3], $0x8000, $0x38;
	[tilespmem:$0x19200] =	vst v63  }
0xce: {  	s20 =	simm.s32 $0x10A00;
	s1 =	sadd.s32 s8, s19  }
0xcf: {  	[hbm4b:s1+s2] =	stream.linear.scatter [tilespmem:s20], [sflag:$0x4], $0x8000, $0x38;
	[tilespmem:$0x19200] =	vst v63  }
0xd0: {  	s9 =	simm.s32 $0x200;
	s1 =	simm.s32 $0xFFFFFFF8  }
0xd1: {  	s14 =	rddreg [dreg:$0x0]  }
0xd2: {  	s8 =	sadd.s32 $0xFFFFFE80, s9;
	s10 =	sadd.s32 s14, s0  }
0xd3: {  	[tilespmem:s8], [sflag:$0x1] =	stream.linear.gather [hbm4b:s10+s2], $0x80, $0x38;
	[tilespmem:$0x19200] =	vst v63  }
0xd4: {  	s18 =	sadd.s32 $0xFFFFFF00, s9;
	s11 =	sadd.s32 s14, s31  }
0xd5: {  	[tilespmem:s18], [sflag:$0x1] =	stream.linear.gather [hbm4b:s11+s2], $0x80, $0x38;
	[tilespmem:$0x19200] =	vst v63  }
0xd6: {  	s19 =	sadd.s32 $0xFFFFFF80, s9;
	s20 =	sadd.s32 s14, s24  }
0xd7: {  	[tilespmem:s19], [sflag:$0x1] =	stream.linear.gather [hbm4b:s20+s2], $0x80, $0x38;
	[tilespmem:$0x19200] =	vst v63  }
0xd8: {  	s13 =	sadd.s32 $0x80, s9;
	s17 =	sadd.s32 $0x100, s9;
	s12 =	sadd.s32 s14, s25  }
0xd9: {  	[tilespmem:s9], [sflag:$0x1] =	stream.linear.gather [hbm4b:s12+s2], $0x80, $0x38;
	[tilespmem:$0x19200] =	vst v63  }
0xda: {  	s1 =	sadd.s32 $0x8, s1;
	s16 =	sadd.s32 s14, s23;
	s8 =	sadd.s32 $0x400, s14  }
0xdb: {  	[tilespmem:s13], [sflag:$0x1] =	stream.linear.gather [hbm4b:s16+s2], $0x80, $0x38;
	[tilespmem:$0x19200] =	vst v63  }
0xdc: {  	s18 =	sadd.s32 s14, s28;
	s11 =	sadd.s32 $0x200, s9;
	s19 =	sadd.s32 $0x180, s9  }
0xdd: {  	[tilespmem:s17], [sflag:$0x1] =	stream.linear.gather [hbm4b:s18+s2], $0x80, $0x38;
	[tilespmem:$0x19200] =	vst v63  }
0xde: {  	s20 =	sadd.s32 s14, s26;
	s12 =	sadd.s32 $0x380, s10;
	s9 =	sadd.s32 $0x400, s9  }
0xdf: {  	[tilespmem:s19], [sflag:$0x1] =	stream.linear.gather [hbm4b:s20+s2], $0x80, $0x38;
	[tilespmem:$0x19200] =	vst v63  }
.LBB2_12:
0xe0: {  	[tilespmem:s11], [sflag:$0x1] =	stream.linear.gather [hbm4b:s12+s2], $0x80, $0x38;
	[tilespmem:$0x19200] =	vst v63  }
0xe1: {  	s10 =	sadd.s32 $0xFFFFFE80, s9;
	s12 =	sadd.s32 s8, s0;
	s1 =	sadd.s32 $0x8, s1  }
0xe2: {  	[tilespmem:s10], [sflag:$0x1] =	stream.linear.gather [hbm4b:s12+s2], $0x80, $0x38;
	[tilespmem:$0x19200] =	vst v63  }
0xe3: {  	s11 =	sadd.s32 s8, s31;
	p0 =	slt.u32 s1, $0x78;
	s10 =	sadd.s32 $0xFFFFFF00, s9  }
0xe4: {  	[tilespmem:s10], [sflag:$0x1] =	stream.linear.gather [hbm4b:s11+s2], $0x80, $0x38;
	[tilespmem:$0x19200] =	vst v63  }
0xe5: {  	s10 =	sadd.s32 $0xFFFFFF80, s9;
	s11 =	sadd.s32 s8, s24  }
0xe6: {  	[tilespmem:s10], [sflag:$0x1] =	stream.linear.gather [hbm4b:s11+s2], $0x80, $0x38;
	[tilespmem:$0x19200] =	vst v63  }
0xe7: {  	s10 =	sadd.s32 s8, s25  }
0xe8: {  	[tilespmem:s9], [sflag:$0x1] =	stream.linear.gather [hbm4b:s10+s2], $0x80, $0x38;
	[tilespmem:$0x19200] =	vst v63  }
0xe9: {  	s13 =	sadd.s32 s8, s23;
	s11 =	sadd.s32 $0x80, s9;
	s10 =	simm.s32 $0x4300  }
0xea: {  	[tilespmem:s11], [sflag:$0x1] =	stream.linear.gather [hbm4b:s13+s2], $0x80, $0x38;
	[tilespmem:$0x19200] =	vst v63  }
.Ltmp7:
0xeb: {  	s11 =	sadd.s32 $0x100, s9;
	s13 =	sadd.s32 s8, s28;
	(pc) =	sbr.rel @p0 .LBB2_12-.Ltmp7, $4  }
0xec: {  	[tilespmem:s11], [sflag:$0x1] =	stream.linear.gather [hbm4b:s13+s2], $0x80, $0x38;
	[tilespmem:$0x19200] =	vst v63  }
0xed: {  	s11 =	sadd.s32 $0x180, s9;
	s13 =	sadd.s32 s8, s26;
	s8 =	sadd.s32 $0x400, s8  }
0xee: {  	[tilespmem:s11], [sflag:$0x1] =	stream.linear.gather [hbm4b:s13+s2], $0x80, $0x38;
	[tilespmem:$0x19200] =	vst v63  }
0xef: {  	s12 =	sadd.s32 $0x380, s12;
	s11 =	sadd.s32 $0x200, s9;
	s9 =	sadd.s32 $0x400, s9  }
0xf0: {  	[tilespmem:s11], [sflag:$0x1] =	stream.linear.gather [hbm4b:s12+s2], $0x80, $0x38;
	[tilespmem:$0x19200] =	vst v63  }
0xf1: {  	s0 =	simm.s32 $0x4180;
	s8 =	sadd.s32 s14, s6  }
0xf2: {  	[tilespmem:s0], [sflag:$0x2] =	stream.linear.gather [hbm4b:s8+s2], $0x80, $0x38;
	[tilespmem:$0x19200] =	vst v63  }
0xf3: {  	s17 =	simm.s32 $0x4200;
	s1 =	sadd.s32 s14, s5  }
0xf4: {  	[tilespmem:s17], [sflag:$0x2] =	stream.linear.gather [hbm4b:s1+s2], $0x80, $0x38;
	[tilespmem:$0x19200] =	vst v63  }
0xf5: {  	s18 =	simm.s32 $0x4280;
	s19 =	sadd.s32 s14, s4  }
0xf6: {  	[tilespmem:s18], [sflag:$0x2] =	stream.linear.gather [hbm4b:s19+s2], $0x80, $0x38;
	[tilespmem:$0x19200] =	vst v63  }
0xf7: {  	s20 =	sadd.s32 s14, s7;
	s23 =	simm.s32 $0x4380;
	s24 =	sadd.s32 s14, s30  }
0xf8: {  	[tilespmem:s10], [sflag:$0x2] =	stream.linear.gather [hbm4b:s20+s2], $0x80, $0x38;
	[tilespmem:$0x19200] =	vst v63  }
0xf9: {  	s25 =	simm.s32 $0x4400;
	s26 =	sadd.s32 s14, s29;
	s28 =	simm.s32 $0x4480  }
0xfa: {  	[tilespmem:s23], [sflag:$0x2] =	stream.linear.gather [hbm4b:s24+s2], $0x80, $0x38;
	[tilespmem:$0x19200] =	vst v63  }
0xfb: {  	s31 =	sadd.s32 s14, s3;
	s9 =	simm.s32 $0x4500;
	s0 =	simm.s32 $0x0  }
0xfc: {  	[tilespmem:s25], [sflag:$0x2] =	stream.linear.gather [hbm4b:s26+s2], $0x80, $0x38;
	[tilespmem:$0x19200] =	vst v63  }
0xfd: {  	s1 =	sadd.s32 $0x400, s14;
	s10 =	sadd.s32 $0x380, s8;
	s8 =	simm.s32 $0x4700  }
0xfe: {  	[tilespmem:s28], [sflag:$0x2] =	stream.linear.gather [hbm4b:s31+s2], $0x80, $0x38;
	[tilespmem:$0x19200] =	vst v63  }
.LBB2_14:
0xff: {  	[tilespmem:s9], [sflag:$0x2] =	stream.linear.gather [hbm4b:s10+s2], $0x80, $0x38;
	[tilespmem:$0x19200] =	vst v63  }
0x100: {  	s9 =	sadd.s32 $0xFFFFFE80, s8;
	s10 =	sadd.s32 s1, s6;
	s0 =	sadd.s32 $0x8, s0  }
0x101: {  	[tilespmem:s9], [sflag:$0x2] =	stream.linear.gather [hbm4b:s10+s2], $0x80, $0x38;
	[tilespmem:$0x19200] =	vst v63  }
0x102: {  	s11 =	sadd.s32 s1, s5;
	p0 =	slt.u32 s0, $0x78;
	s9 =	sadd.s32 $0xFFFFFF00, s8  }
0x103: {  	[tilespmem:s9], [sflag:$0x2] =	stream.linear.gather [hbm4b:s11+s2], $0x80, $0x38;
	[tilespmem:$0x19200] =	vst v63  }
0x104: {  	s9 =	sadd.s32 $0xFFFFFF80, s8;
	s11 =	sadd.s32 s1, s4  }
0x105: {  	[tilespmem:s9], [sflag:$0x2] =	stream.linear.gather [hbm4b:s11+s2], $0x80, $0x38;
	[tilespmem:$0x19200] =	vst v63  }
0x106: {  	s9 =	sadd.s32 s1, s7  }
0x107: {  	[tilespmem:s8], [sflag:$0x2] =	stream.linear.gather [hbm4b:s9+s2], $0x80, $0x38;
	[tilespmem:$0x19200] =	vst v63  }
0x108: {  	s11 =	sadd.s32 s1, s30;
	s9 =	sadd.s32 $0x80, s8  }
0x109: {  	[tilespmem:s9], [sflag:$0x2] =	stream.linear.gather [hbm4b:s11+s2], $0x80, $0x38;
	[tilespmem:$0x19200] =	vst v63  }
.Ltmp8:
0x10a: {  	s9 =	sadd.s32 $0x100, s8;
	s11 =	sadd.s32 s1, s29;
	(pc) =	sbr.rel @p0 .LBB2_14-.Ltmp8, $4  }
0x10b: {  	[tilespmem:s9], [sflag:$0x2] =	stream.linear.gather [hbm4b:s11+s2], $0x80, $0x38;
	[tilespmem:$0x19200] =	vst v63  }
0x10c: {  	s9 =	sadd.s32 $0x180, s8;
	s11 =	sadd.s32 s1, s3;
	s1 =	sadd.s32 $0x400, s1  }
0x10d: {  	[tilespmem:s9], [sflag:$0x2] =	stream.linear.gather [hbm4b:s11+s2], $0x80, $0x38;
	[tilespmem:$0x19200] =	vst v63  }
0x10e: {  	s10 =	sadd.s32 $0x380, s10;
	s9 =	sadd.s32 $0x200, s8;
	s8 =	sadd.s32 $0x400, s8  }
0x10f: {  	[tilespmem:s9], [sflag:$0x2] =	stream.linear.gather [hbm4b:s10+s2], $0x80, $0x38;
	[tilespmem:$0x19200] =	vst v63  }
.Ltmp9:
0x110: {  	s31 =	rddreg [dreg:$0x1b];
	(pc) =	sbr.rel .LBB2_6-.Ltmp9, $4  }
0x111: {  	s8 =	rddreg [dreg:$0x1a]  }
0x112: {  	s1 =	rddreg [dreg:$0x19]  }
0x113: {  	s15 =	sadd.s32 $0x1, s15;
	s0 =	rddreg [dreg:$0x18];
	s9 =	sadd.s32 $0x8000, s31  }
0x114: {  	s8 =	sadd.s32 $0x1, s8;
	s1 =	sadd.s32 $0x8000, s1;
	s0 =	sadd.s32 $0x2, s0  }
.LBB2_17:
0x115: {  	_ =	sfence.sel $0x180000  }
0x116: {  	[bflag:$0x0] =	sbarrier.arrive $0xFFFF  }
0x117: {  	_ =	strace $0x90000047  }
0x118: {  	s0 =	stileid.u32;
	[bflag:$0x2] =	sbarrier.arrive $0xFFFF  }
0x119: {  	p0 =	sne.s32 s0, $0x0;
	s0 =	rddreg [dreg:$0x2]  }
0x11a: {  	s0 =	sadd.s32 @!p0 $0x100000, s0  }
0x11b: {  	[sflag:s0] =	ssyncadd.tile.s32 @!p0 $0x1;
	_ =	shalt  }
.Lfunc_end2:
_tile_overlayer_lowered:
.L_overlay_start_2:
0x11c: {  	(tag) =	ssettag $0x2  }
0x11d: {  	s0 =	rddreg [dreg:$0x0];
	s2 =	stileid.u32  }
0x11e: {  	s1 =	rddreg [dreg:$0x1];
	p0 =	sne.s32 s2, $0x0  }
0x11f: {  	s3 =	rddreg [dreg:$0x2];
	[bflag:$0x3] =	sbarrier.arrive $0xFFFF;
	s2 =	simm.s32 @!p0 $0x1C05  }
0x120: {  	[timem:s3], [sflag:s2] =	dma.local @!p0 [hbm:s0], s1  }
0x121: {  	s0 =	simm.s32 @!p0 $0x5  }
0x122: {  	_ =	swait.ge @!p0 [sflag:s0], s1  }
0x123: {  	s1 =	ssub.s32 @!p0 $0x0, s1;
	[sflag:s0] =	ssyncset.done @!p0 $0x0  }
0x124: {  	[sflag:s0] =	ssyncadd.s32 @!p0 s1  }
0x125: {  	[bflag:$0x3] =	sbarrier.arrive $0xFFFF  }
0x126: {  	_ =	shalt  }

</sc_bundles>
